<compile_context>
chip_gen: v7x
topology: tpu7x:2x2x1
jax: 0.10.2.dev20260603
libtpu: 0.0.44.dev20260713+nightly
codegen_flags: <defaults>
</compile_context>

<pallas_src>
import functools

import jax
import jax.numpy as jnp
from jax import lax
from jax.experimental import pallas as pl
from jax.experimental.pallas import tpu as pltpu
from jax.experimental.pallas import tpu_sc as plsc

BATCH = 4096
HIST = 200
EMBED_DIM = 64
OUTPUT_DIM = 128

NC = 2
NS = 16
NW = NC * NS

ROWS_PER_W = BATCH // NW
SPLIT = 128
REM = HIST - SPLIT
NBUF = 4


def _repack_body(x_ref, o_ref):
    o_ref[0] = x_ref[:, :SPLIT]
    o_ref[1] = jnp.concatenate(
        [x_ref[:, SPLIT:], jnp.zeros((BATCH, SPLIT - REM), jnp.int32)], axis=1
    )


def _repack(x):
    return pl.pallas_call(
        _repack_body,
        out_shape=jax.ShapeDtypeStruct((2, BATCH, SPLIT), jnp.int32),
    )(x)


def _sc_pool_body(x_hbm, table_hbm, out_hbm, idx_v, ring_v, out_stage, *sems):
    wid = lax.axis_index("s") * NC + lax.axis_index("c")
    pltpu.sync_copy(x_hbm.at[0, pl.ds(wid * ROWS_PER_W, ROWS_PER_W)], idx_v.at[0])
    pltpu.sync_copy(x_hbm.at[1, pl.ds(wid * ROWS_PER_W, ROWS_PER_W)], idx_v.at[1])

    def issue(s, r):
        pltpu.make_async_copy(
            table_hbm.at[idx_v.at[0, r]],
            ring_v.at[s, pl.ds(0, SPLIT)],
            sems[2 * s],
        ).start()
        pltpu.make_async_copy(
            table_hbm.at[idx_v.at[1, r, pl.ds(0, REM)]],
            ring_v.at[s, pl.ds(SPLIT, REM)],
            sems[2 * s + 1],
        ).start()

    def wait(s, r):
        pltpu.make_async_copy(
            table_hbm.at[idx_v.at[0, r]],
            ring_v.at[s, pl.ds(0, SPLIT)],
            sems[2 * s],
        ).wait()
        pltpu.make_async_copy(
            table_hbm.at[idx_v.at[1, r, pl.ds(0, REM)]],
            ring_v.at[s, pl.ds(SPLIT, REM)],
            sems[2 * s + 1],
        ).wait()

    for s in range(NBUF):
        issue(s, s)

    scale = jnp.float32(1.0 / HIST)
    z = jnp.zeros((16,), jnp.float32)

    def period(g, carry):
        for j in range(NBUF):
            r = g * NBUF + j
            wait(j, r)

            def body(i, a):
                a0, a1, a2, a3 = a
                a0 = a0 + ring_v[j, i, pl.ds(0, 16)]
                a1 = a1 + ring_v[j, i, pl.ds(16, 16)]
                a2 = a2 + ring_v[j, i, pl.ds(32, 16)]
                a3 = a3 + ring_v[j, i, pl.ds(48, 16)]
                return (a0, a1, a2, a3)

            a0, a1, a2, a3 = lax.fori_loop(0, HIST, body, (z, z, z, z))

            @pl.when(r + NBUF < ROWS_PER_W)
            def _():
                issue(j, r + NBUF)

            out_stage[r, pl.ds(0, 16)] = a0 * scale
            out_stage[r, pl.ds(16, 16)] = a1 * scale
            out_stage[r, pl.ds(32, 16)] = a2 * scale
            out_stage[r, pl.ds(48, 16)] = a3 * scale

        return carry

    lax.fori_loop(0, ROWS_PER_W // NBUF, period, 0)
    pltpu.sync_copy(out_stage, out_hbm.at[pl.ds(wid * ROWS_PER_W, ROWS_PER_W)])


_sc_pool = functools.partial(
    pl.kernel,
    out_type=jax.ShapeDtypeStruct((BATCH, EMBED_DIM), jnp.float32),
    mesh=plsc.VectorSubcoreMesh(core_axis_name="c", subcore_axis_name="s"),
    scratch_types=[
        pltpu.VMEM((2, ROWS_PER_W, SPLIT), jnp.int32),
        pltpu.VMEM((NBUF, HIST, EMBED_DIM), jnp.float32),
        pltpu.VMEM((ROWS_PER_W, EMBED_DIM), jnp.float32),
    ]
    + [pltpu.SemaphoreType.DMA] * (2 * NBUF),
    compiler_params=pltpu.CompilerParams(use_tc_tiling_on_sc=False),
)(_sc_pool_body)


def _tc_head_body(p_ref, w_ref, b_ref, o_ref):
    out = jnp.dot(p_ref[...], w_ref[...], preferred_element_type=jnp.float32)
    out = out + b_ref[...]
    ss = jnp.sum(out * out, axis=1, keepdims=True)
    norm = jnp.sqrt(ss)
    o_ref[...] = out / jnp.maximum(norm, 1e-12)


def _tc_head(pooled, wt, b2):
    blk = 512
    return pl.pallas_call(
        _tc_head_body,
        grid=(BATCH // blk,),
        in_specs=[
            pl.BlockSpec((blk, EMBED_DIM), lambda i: (i, 0)),
            pl.BlockSpec((EMBED_DIM, OUTPUT_DIM), lambda i: (0, 0)),
            pl.BlockSpec((1, OUTPUT_DIM), lambda i: (0, 0)),
        ],
        out_specs=pl.BlockSpec((blk, OUTPUT_DIM), lambda i: (i, 0)),
        out_shape=jax.ShapeDtypeStruct((BATCH, OUTPUT_DIM), jnp.float32),
    )(pooled, wt, b2)


def kernel(x, table, W, b):
    x2 = _repack(x.astype(jnp.int32))
    pooled = _sc_pool(x2, table)
    return _tc_head(pooled, W.T, b.reshape(1, OUTPUT_DIM))

# --- scband reference (transcript-rebuilt; emitter-appended) ---
"""Pipeline reference for scband-continuous-ngram-embedding-net-11029476016346 (READ-ONLY COPY).

The authoritative reference and input builder live on the scoring server;
editing this copy changes nothing except your own understanding.
"""

import jax, jax.numpy as jnp
import numpy as np

VOCAB = 1000000
EMBED_DIM = 64
OUTPUT_DIM = 128
BATCH = 4096
HIST = 200

def setup_inputs(seed: int = 0) -> dict:
    key = jax.random.key(seed)
    k1, k2, k3, k4 = jax.random.split(key, 4)
    x = jax.random.randint(k1, (BATCH, HIST), 0, VOCAB, dtype=jnp.int64 if jax.config.jax_enable_x64 else jnp.int32)
    table = jax.random.normal(k2, (VOCAB, EMBED_DIM), dtype=jnp.float32)
    W = jax.random.normal(k3, (OUTPUT_DIM, EMBED_DIM), dtype=jnp.float32) * (1.0 / np.sqrt(EMBED_DIM))
    b = jax.random.normal(k4, (OUTPUT_DIM,), dtype=jnp.float32) * 0.01
    return {"x": x, "table": table, "W": W, "b": b}

def reference(x, table, W, b):
    # Embedding lookup: [B, L] -> [B, L, D]
    emb = jnp.take(table, x, axis=0)
    # Dropout is identity in eval mode.
    # AdaptiveAvgPool2d((1, None)) on 3D input (B, L, D) pools L -> 1: [B, 1, D]; squeeze -> [B, D]
    pooled = jnp.mean(emb, axis=1)
    # Linear: [B, D] @ W.T + b -> [B, OUTPUT_DIM]
    out = pooled @ W.T + b
    # F.normalize: L2 normalize along dim=1 with eps=1e-12
    norm = jnp.linalg.norm(out, ord=2, axis=1, keepdims=True)
    out = out / jnp.maximum(norm, 1e-12)
    return out

if __name__ == "__main__":
    import jax
    _d = setup_inputs()
    print(jax.jit(kernel)(*tuple(_d.values())))

</pallas_src>

<mosaic_0001>
#map = affine_map<(d0, d1) -> (0, 0, 0)>
#map1 = affine_map<(d0, d1) -> (0, 0)>
module attributes {stable_mosaic.version = 14 : i64} {
  func.func @_sc_pool_body(%arg0: i32, %arg1: i32, %arg2: memref<2x4096x128xi32, #tpu.memory_space<hbm>>, %arg3: memref<1000000x64xf32, #tpu.memory_space<hbm>>, %arg4: memref<4096x64xf32, #tpu.memory_space<hbm>>, %arg5: memref<2x128x128xi32, #tpu.memory_space<vmem>>, %arg6: memref<4x200x64xf32, #tpu.memory_space<vmem>>, %arg7: memref<128x64xf32, #tpu.memory_space<vmem>>, %arg8: memref<!tpu.dma_semaphore, #tpu.memory_space<semaphore_mem>>, %arg9: memref<!tpu.dma_semaphore, #tpu.memory_space<semaphore_mem>>, %arg10: memref<!tpu.dma_semaphore, #tpu.memory_space<semaphore_mem>>, %arg11: memref<!tpu.dma_semaphore, #tpu.memory_space<semaphore_mem>>, %arg12: memref<!tpu.dma_semaphore, #tpu.memory_space<semaphore_mem>>, %arg13: memref<!tpu.dma_semaphore, #tpu.memory_space<semaphore_mem>>, %arg14: memref<!tpu.dma_semaphore, #tpu.memory_space<semaphore_mem>>, %arg15: memref<!tpu.dma_semaphore, #tpu.memory_space<semaphore_mem>>) attributes {dimension_semantics = [#tpu.dimension_semantics<core_parallel>, #tpu.dimension_semantics<subcore_parallel>], iteration_bounds = array<i64: 2, 16>, scalar_prefetch = 0 : i64, scratch_operands = 11 : i64, tpu.core_type = #tpu.core_type<sc_vector_subcore>, window_params = [{transform_indices = #map}, {transform_indices = #map1}, {transform_indices = #map1}]} {
    %mul3A = arith.constant 2 : i32
    %mul3A_0 = arith.muli %arg1, %mul3A : i32
    %add3A = arith.addi %mul3A_0, %arg0 : i32
    %mul3A_1 = arith.constant 128 : i32
    %mul3A_2 = arith.muli %add3A, %mul3A_1 : i32
    %run_scoped3A = arith.constant 0 : i32
    %run_scoped3A_3 = arith.constant 0 : i32
    "tpu.region"() ({
      %run_scoped3A_120 = tpu.sem_alloc : memref<!tpu.dma_semaphore, #tpu.memory_space<semaphore_mem>>
      %dma_start3A_121 = arith.constant 0 : i32
      %dma_start3A_122 = arith.constant 0 : i32
      %dma_start3A_123 = tpu.memref_slice %arg5[%run_scoped3A_3, %dma_start3A_121, %dma_start3A_122] : memref<2x128x128xi32, #tpu.memory_space<vmem>> -> memref<1x128x128xi32, #tpu.memory_space<vmem>>
      %dma_start3A_124 = tpu.memref_squeeze %dma_start3A_123 : memref<1x128x128xi32, #tpu.memory_space<vmem>> -> memref<128x128xi32, #tpu.memory_space<vmem>>
      %dma_start3A_125 = arith.constant 0 : i32
      %dma_start3A_126 = tpu.memref_slice %arg2[%run_scoped3A, %mul3A_2, %dma_start3A_125] : memref<2x4096x128xi32, #tpu.memory_space<hbm>> -> memref<1x128x128xi32, #tpu.memory_space<hbm>>
      %dma_start3A_127 = tpu.memref_squeeze %dma_start3A_126 : memref<1x128x128xi32, #tpu.memory_space<hbm>> -> memref<128x128xi32, #tpu.memory_space<hbm>>
      %dma_start3A_128 = arith.constant 0 : i32
      %dma_start3A_129 = arith.constant 0 : i32
      %dma_start3A_130 = tpu.memref_slice %arg5[%run_scoped3A_3, %dma_start3A_128, %dma_start3A_129] : memref<2x128x128xi32, #tpu.memory_space<vmem>> -> memref<1x128x128xi32, #tpu.memory_space<vmem>>
      %dma_start3A_131 = tpu.memref_squeeze %dma_start3A_130 : memref<1x128x128xi32, #tpu.memory_space<vmem>> -> memref<128x128xi32, #tpu.memory_space<vmem>>
      %dma_start3A_132 = arith.constant 0 : i32
      %dma_start3A_133 = tpu.memref_slice %arg2[%run_scoped3A, %mul3A_2, %dma_start3A_132] : memref<2x4096x128xi32, #tpu.memory_space<hbm>> -> memref<1x128x128xi32, #tpu.memory_space<hbm>>
      %dma_start3A_134 = tpu.memref_squeeze %dma_start3A_133 : memref<1x128x128xi32, #tpu.memory_space<hbm>> -> memref<128x128xi32, #tpu.memory_space<hbm>>
      tpu.enqueue_dma source(%dma_start3A_134 : memref<128x128xi32, #tpu.memory_space<hbm>>) target(%dma_start3A_131 : memref<128x128xi32, #tpu.memory_space<vmem>>) target_semaphore(%run_scoped3A_120 : memref<!tpu.dma_semaphore, #tpu.memory_space<semaphore_mem>>)
      %dma_wait3A = arith.constant 0 : i32
      %dma_wait3A_135 = arith.constant 0 : i32
      %dma_wait3A_136 = tpu.memref_slice %arg5[%run_scoped3A_3, %dma_wait3A, %dma_wait3A_135] : memref<2x128x128xi32, #tpu.memory_space<vmem>> -> memref<1x128x128xi32, #tpu.memory_space<vmem>>
      %dma_wait3A_137 = tpu.memref_squeeze %dma_wait3A_136 : memref<1x128x128xi32, #tpu.memory_space<vmem>> -> memref<128x128xi32, #tpu.memory_space<vmem>>
      %dma_wait3A_138 = arith.constant 0 : i32
      %dma_wait3A_139 = tpu.memref_slice %arg2[%run_scoped3A, %mul3A_2, %dma_wait3A_138] : memref<2x4096x128xi32, #tpu.memory_space<hbm>> -> memref<1x128x128xi32, #tpu.memory_space<hbm>>
      %dma_wait3A_140 = tpu.memref_squeeze %dma_wait3A_139 : memref<1x128x128xi32, #tpu.memory_space<hbm>> -> memref<128x128xi32, #tpu.memory_space<hbm>>
      %dma_wait3A_141 = arith.constant 0 : i32
      %dma_wait3A_142 = arith.constant 0 : i32
      %dma_wait3A_143 = tpu.memref_slice %arg5[%run_scoped3A_3, %dma_wait3A_141, %dma_wait3A_142] : memref<2x128x128xi32, #tpu.memory_space<vmem>> -> memref<1x128x128xi32, #tpu.memory_space<vmem>>
      %dma_wait3A_144 = tpu.memref_squeeze %dma_wait3A_143 : memref<1x128x128xi32, #tpu.memory_space<vmem>> -> memref<128x128xi32, #tpu.memory_space<vmem>>
      %dma_wait3A_145 = arith.constant 0 : i32
      %dma_wait3A_146 = tpu.memref_slice %arg2[%run_scoped3A, %mul3A_2, %dma_wait3A_145] : memref<2x4096x128xi32, #tpu.memory_space<hbm>> -> memref<1x128x128xi32, #tpu.memory_space<hbm>>
      %dma_wait3A_147 = tpu.memref_squeeze %dma_wait3A_146 : memref<1x128x128xi32, #tpu.memory_space<hbm>> -> memref<128x128xi32, #tpu.memory_space<hbm>>
      tpu.wait_dma2 semaphore(%run_scoped3A_120 : memref<!tpu.dma_semaphore, #tpu.memory_space<semaphore_mem>>) src(%dma_wait3A_147 : memref<128x128xi32, #tpu.memory_space<hbm>>) dst(%dma_wait3A_144 : memref<128x128xi32, #tpu.memory_space<vmem>>)
      tpu.yield
    }) : () -> ()
    %mul3A_4 = arith.constant 128 : i32
    %mul3A_5 = arith.muli %add3A, %mul3A_4 : i32
    %run_scoped3A_6 = arith.constant 1 : i32
    %run_scoped3A_7 = arith.constant 1 : i32
    "tpu.region"() ({
      %run_scoped3A_120 = tpu.sem_alloc : memref<!tpu.dma_semaphore, #tpu.memory_space<semaphore_mem>>
      %dma_start3A_121 = arith.constant 0 : i32
      %dma_start3A_122 = arith.constant 0 : i32
      %dma_start3A_123 = tpu.memref_slice %arg5[%run_scoped3A_7, %dma_start3A_121, %dma_start3A_122] : memref<2x128x128xi32, #tpu.memory_space<vmem>> -> memref<1x128x128xi32, #tpu.memory_space<vmem>>
      %dma_start3A_124 = tpu.memref_squeeze %dma_start3A_123 : memref<1x128x128xi32, #tpu.memory_space<vmem>> -> memref<128x128xi32, #tpu.memory_space<vmem>>
      %dma_start3A_125 = arith.constant 0 : i32
      %dma_start3A_126 = tpu.memref_slice %arg2[%run_scoped3A_6, %mul3A_5, %dma_start3A_125] : memref<2x4096x128xi32, #tpu.memory_space<hbm>> -> memref<1x128x128xi32, #tpu.memory_space<hbm>>
      %dma_start3A_127 = tpu.memref_squeeze %dma_start3A_126 : memref<1x128x128xi32, #tpu.memory_space<hbm>> -> memref<128x128xi32, #tpu.memory_space<hbm>>
      %dma_start3A_128 = arith.constant 0 : i32
      %dma_start3A_129 = arith.constant 0 : i32
      %dma_start3A_130 = tpu.memref_slice %arg5[%run_scoped3A_7, %dma_start3A_128, %dma_start3A_129] : memref<2x128x128xi32, #tpu.memory_space<vmem>> -> memref<1x128x128xi32, #tpu.memory_space<vmem>>
      %dma_start3A_131 = tpu.memref_squeeze %dma_start3A_130 : memref<1x128x128xi32, #tpu.memory_space<vmem>> -> memref<128x128xi32, #tpu.memory_space<vmem>>
      %dma_start3A_132 = arith.constant 0 : i32
      %dma_start3A_133 = tpu.memref_slice %arg2[%run_scoped3A_6, %mul3A_5, %dma_start3A_132] : memref<2x4096x128xi32, #tpu.memory_space<hbm>> -> memref<1x128x128xi32, #tpu.memory_space<hbm>>
      %dma_start3A_134 = tpu.memref_squeeze %dma_start3A_133 : memref<1x128x128xi32, #tpu.memory_space<hbm>> -> memref<128x128xi32, #tpu.memory_space<hbm>>
      tpu.enqueue_dma source(%dma_start3A_134 : memref<128x128xi32, #tpu.memory_space<hbm>>) target(%dma_start3A_131 : memref<128x128xi32, #tpu.memory_space<vmem>>) target_semaphore(%run_scoped3A_120 : memref<!tpu.dma_semaphore, #tpu.memory_space<semaphore_mem>>)
      %dma_wait3A = arith.constant 0 : i32
      %dma_wait3A_135 = arith.constant 0 : i32
      %dma_wait3A_136 = tpu.memref_slice %arg5[%run_scoped3A_7, %dma_wait3A, %dma_wait3A_135] : memref<2x128x128xi32, #tpu.memory_space<vmem>> -> memref<1x128x128xi32, #tpu.memory_space<vmem>>
      %dma_wait3A_137 = tpu.memref_squeeze %dma_wait3A_136 : memref<1x128x128xi32, #tpu.memory_space<vmem>> -> memref<128x128xi32, #tpu.memory_space<vmem>>
      %dma_wait3A_138 = arith.constant 0 : i32
      %dma_wait3A_139 = tpu.memref_slice %arg2[%run_scoped3A_6, %mul3A_5, %dma_wait3A_138] : memref<2x4096x128xi32, #tpu.memory_space<hbm>> -> memref<1x128x128xi32, #tpu.memory_space<hbm>>
      %dma_wait3A_140 = tpu.memref_squeeze %dma_wait3A_139 : memref<1x128x128xi32, #tpu.memory_space<hbm>> -> memref<128x128xi32, #tpu.memory_space<hbm>>
      %dma_wait3A_141 = arith.constant 0 : i32
      %dma_wait3A_142 = arith.constant 0 : i32
      %dma_wait3A_143 = tpu.memref_slice %arg5[%run_scoped3A_7, %dma_wait3A_141, %dma_wait3A_142] : memref<2x128x128xi32, #tpu.memory_space<vmem>> -> memref<1x128x128xi32, #tpu.memory_space<vmem>>
      %dma_wait3A_144 = tpu.memref_squeeze %dma_wait3A_143 : memref<1x128x128xi32, #tpu.memory_space<vmem>> -> memref<128x128xi32, #tpu.memory_space<vmem>>
      %dma_wait3A_145 = arith.constant 0 : i32
      %dma_wait3A_146 = tpu.memref_slice %arg2[%run_scoped3A_6, %mul3A_5, %dma_wait3A_145] : memref<2x4096x128xi32, #tpu.memory_space<hbm>> -> memref<1x128x128xi32, #tpu.memory_space<hbm>>
      %dma_wait3A_147 = tpu.memref_squeeze %dma_wait3A_146 : memref<1x128x128xi32, #tpu.memory_space<hbm>> -> memref<128x128xi32, #tpu.memory_space<hbm>>
      tpu.wait_dma2 semaphore(%run_scoped3A_120 : memref<!tpu.dma_semaphore, #tpu.memory_space<semaphore_mem>>) src(%dma_wait3A_147 : memref<128x128xi32, #tpu.memory_space<hbm>>) dst(%dma_wait3A_144 : memref<128x128xi32, #tpu.memory_space<vmem>>)
      tpu.yield
    }) : () -> ()
    %dma_start3A = arith.constant 0 : i32
    %dma_start3A_8 = arith.constant 0 : i32
    %dma_start3A_9 = arith.constant 0 : i32
    %dma_start3A_10 = arith.constant 0 : i32
    %dma_start3A_11 = arith.constant 0 : i32
    %dma_start3A_12 = tpu.memref_slice %arg6[%dma_start3A_9, %dma_start3A_10, %dma_start3A_11] : memref<4x200x64xf32, #tpu.memory_space<vmem>> -> memref<1x128x64xf32, #tpu.memory_space<vmem>>
    %dma_start3A_13 = tpu.memref_squeeze %dma_start3A_12 : memref<1x128x64xf32, #tpu.memory_space<vmem>> -> memref<128x64xf32, #tpu.memory_space<vmem>>
    %dma_start3A_14 = arith.constant 0 : i32
    %dma_start3A_15 = tpu.memref_slice %arg5[%dma_start3A, %dma_start3A_8, %dma_start3A_14] : memref<2x128x128xi32, #tpu.memory_space<vmem>> -> memref<1x1x128xi32, #tpu.memory_space<vmem>>
    %dma_start3A_16 = tpu.memref_squeeze %dma_start3A_15 : memref<1x1x128xi32, #tpu.memory_space<vmem>> -> memref<128xi32, #tpu.memory_space<vmem>>
    %dma_start3A_17 = arith.constant 0 : i32
    %dma_start3A_18 = arith.constant 0 : i32
    %dma_start3A_19 = tpu.memref_slice %arg3[%dma_start3A_17, %dma_start3A_18] : memref<1000000x64xf32, #tpu.memory_space<hbm>> -> memref<1000000x64xf32, #tpu.memory_space<hbm>>
    tpu.enqueue_indirect_dma source(%dma_start3A_19 : memref<1000000x64xf32, #tpu.memory_space<hbm>>) target(%dma_start3A_13 : memref<128x64xf32, #tpu.memory_space<vmem>>) offsets(%dma_start3A_16 : memref<128xi32, #tpu.memory_space<vmem>>) semaphore(%arg8 : memref<!tpu.dma_semaphore, #tpu.memory_space<semaphore_mem>>)
    %dma_start3A_20 = arith.constant 1 : i32
    %dma_start3A_21 = arith.constant 0 : i32
    %dma_start3A_22 = arith.constant 0 : i32
    %dma_start3A_23 = arith.constant 128 : i32
    %dma_start3A_24 = arith.constant 0 : i32
    %dma_start3A_25 = tpu.memref_slice %arg6[%dma_start3A_22, %dma_start3A_23, %dma_start3A_24] : memref<4x200x64xf32, #tpu.memory_space<vmem>> -> memref<1x72x64xf32, #tpu.memory_space<vmem>>
    %dma_start3A_26 = tpu.memref_squeeze %dma_start3A_25 : memref<1x72x64xf32, #tpu.memory_space<vmem>> -> memref<72x64xf32, #tpu.memory_space<vmem>>
    %dma_start3A_27 = arith.constant 0 : i32
    %dma_start3A_28 = tpu.memref_slice %arg5[%dma_start3A_20, %dma_start3A_21, %dma_start3A_27] : memref<2x128x128xi32, #tpu.memory_space<vmem>> -> memref<1x1x72xi32, #tpu.memory_space<vmem>>
    %dma_start3A_29 = tpu.memref_squeeze %dma_start3A_28 : memref<1x1x72xi32, #tpu.memory_space<vmem>> -> memref<72xi32, #tpu.memory_space<vmem>>
    %dma_start3A_30 = arith.constant 0 : i32
    %dma_start3A_31 = arith.constant 0 : i32
    %dma_start3A_32 = tpu.memref_slice %arg3[%dma_start3A_30, %dma_start3A_31] : memref<1000000x64xf32, #tpu.memory_space<hbm>> -> memref<1000000x64xf32, #tpu.memory_space<hbm>>
    tpu.enqueue_indirect_dma source(%dma_start3A_32 : memref<1000000x64xf32, #tpu.memory_space<hbm>>) target(%dma_start3A_26 : memref<72x64xf32, #tpu.memory_space<vmem>>) offsets(%dma_start3A_29 : memref<72xi32, #tpu.memory_space<vmem>>) semaphore(%arg9 : memref<!tpu.dma_semaphore, #tpu.memory_space<semaphore_mem>>)
    %dma_start3A_33 = arith.constant 0 : i32
    %dma_start3A_34 = arith.constant 1 : i32
    %dma_start3A_35 = arith.constant 1 : i32
    %dma_start3A_36 = arith.constant 0 : i32
    %dma_start3A_37 = arith.constant 0 : i32
    %dma_start3A_38 = tpu.memref_slice %arg6[%dma_start3A_35, %dma_start3A_36, %dma_start3A_37] : memref<4x200x64xf32, #tpu.memory_space<vmem>> -> memref<1x128x64xf32, #tpu.memory_space<vmem>>
    %dma_start3A_39 = tpu.memref_squeeze %dma_start3A_38 : memref<1x128x64xf32, #tpu.memory_space<vmem>> -> memref<128x64xf32, #tpu.memory_space<vmem>>
    %dma_start3A_40 = arith.constant 0 : i32
    %dma_start3A_41 = tpu.memref_slice %arg5[%dma_start3A_33, %dma_start3A_34, %dma_start3A_40] : memref<2x128x128xi32, #tpu.memory_space<vmem>> -> memref<1x1x128xi32, #tpu.memory_space<vmem>>
    %dma_start3A_42 = tpu.memref_squeeze %dma_start3A_41 : memref<1x1x128xi32, #tpu.memory_space<vmem>> -> memref<128xi32, #tpu.memory_space<vmem>>
    %dma_start3A_43 = arith.constant 0 : i32
    %dma_start3A_44 = arith.constant 0 : i32
    %dma_start3A_45 = tpu.memref_slice %arg3[%dma_start3A_43, %dma_start3A_44] : memref<1000000x64xf32, #tpu.memory_space<hbm>> -> memref<1000000x64xf32, #tpu.memory_space<hbm>>
    tpu.enqueue_indirect_dma source(%dma_start3A_45 : memref<1000000x64xf32, #tpu.memory_space<hbm>>) target(%dma_start3A_39 : memref<128x64xf32, #tpu.memory_space<vmem>>) offsets(%dma_start3A_42 : memref<128xi32, #tpu.memory_space<vmem>>) semaphore(%arg10 : memref<!tpu.dma_semaphore, #tpu.memory_space<semaphore_mem>>)
    %dma_start3A_46 = arith.constant 1 : i32
    %dma_start3A_47 = arith.constant 1 : i32
    %dma_start3A_48 = arith.constant 1 : i32
    %dma_start3A_49 = arith.constant 128 : i32
    %dma_start3A_50 = arith.constant 0 : i32
    %dma_start3A_51 = tpu.memref_slice %arg6[%dma_start3A_48, %dma_start3A_49, %dma_start3A_50] : memref<4x200x64xf32, #tpu.memory_space<vmem>> -> memref<1x72x64xf32, #tpu.memory_space<vmem>>
    %dma_start3A_52 = tpu.memref_squeeze %dma_start3A_51 : memref<1x72x64xf32, #tpu.memory_space<vmem>> -> memref<72x64xf32, #tpu.memory_space<vmem>>
    %dma_start3A_53 = arith.constant 0 : i32
    %dma_start3A_54 = tpu.memref_slice %arg5[%dma_start3A_46, %dma_start3A_47, %dma_start3A_53] : memref<2x128x128xi32, #tpu.memory_space<vmem>> -> memref<1x1x72xi32, #tpu.memory_space<vmem>>
    %dma_start3A_55 = tpu.memref_squeeze %dma_start3A_54 : memref<1x1x72xi32, #tpu.memory_space<vmem>> -> memref<72xi32, #tpu.memory_space<vmem>>
    %dma_start3A_56 = arith.constant 0 : i32
    %dma_start3A_57 = arith.constant 0 : i32
    %dma_start3A_58 = tpu.memref_slice %arg3[%dma_start3A_56, %dma_start3A_57] : memref<1000000x64xf32, #tpu.memory_space<hbm>> -> memref<1000000x64xf32, #tpu.memory_space<hbm>>
    tpu.enqueue_indirect_dma source(%dma_start3A_58 : memref<1000000x64xf32, #tpu.memory_space<hbm>>) target(%dma_start3A_52 : memref<72x64xf32, #tpu.memory_space<vmem>>) offsets(%dma_start3A_55 : memref<72xi32, #tpu.memory_space<vmem>>) semaphore(%arg11 : memref<!tpu.dma_semaphore, #tpu.memory_space<semaphore_mem>>)
    %dma_start3A_59 = arith.constant 0 : i32
    %dma_start3A_60 = arith.constant 2 : i32
    %dma_start3A_61 = arith.constant 2 : i32
    %dma_start3A_62 = arith.constant 0 : i32
    %dma_start3A_63 = arith.constant 0 : i32
    %dma_start3A_64 = tpu.memref_slice %arg6[%dma_start3A_61, %dma_start3A_62, %dma_start3A_63] : memref<4x200x64xf32, #tpu.memory_space<vmem>> -> memref<1x128x64xf32, #tpu.memory_space<vmem>>
    %dma_start3A_65 = tpu.memref_squeeze %dma_start3A_64 : memref<1x128x64xf32, #tpu.memory_space<vmem>> -> memref<128x64xf32, #tpu.memory_space<vmem>>
    %dma_start3A_66 = arith.constant 0 : i32
    %dma_start3A_67 = tpu.memref_slice %arg5[%dma_start3A_59, %dma_start3A_60, %dma_start3A_66] : memref<2x128x128xi32, #tpu.memory_space<vmem>> -> memref<1x1x128xi32, #tpu.memory_space<vmem>>
    %dma_start3A_68 = tpu.memref_squeeze %dma_start3A_67 : memref<1x1x128xi32, #tpu.memory_space<vmem>> -> memref<128xi32, #tpu.memory_space<vmem>>
    %dma_start3A_69 = arith.constant 0 : i32
    %dma_start3A_70 = arith.constant 0 : i32
    %dma_start3A_71 = tpu.memref_slice %arg3[%dma_start3A_69, %dma_start3A_70] : memref<1000000x64xf32, #tpu.memory_space<hbm>> -> memref<1000000x64xf32, #tpu.memory_space<hbm>>
    tpu.enqueue_indirect_dma source(%dma_start3A_71 : memref<1000000x64xf32, #tpu.memory_space<hbm>>) target(%dma_start3A_65 : memref<128x64xf32, #tpu.memory_space<vmem>>) offsets(%dma_start3A_68 : memref<128xi32, #tpu.memory_space<vmem>>) semaphore(%arg12 : memref<!tpu.dma_semaphore, #tpu.memory_space<semaphore_mem>>)
    %dma_start3A_72 = arith.constant 1 : i32
    %dma_start3A_73 = arith.constant 2 : i32
    %dma_start3A_74 = arith.constant 2 : i32
    %dma_start3A_75 = arith.constant 128 : i32
    %dma_start3A_76 = arith.constant 0 : i32
    %dma_start3A_77 = tpu.memref_slice %arg6[%dma_start3A_74, %dma_start3A_75, %dma_start3A_76] : memref<4x200x64xf32, #tpu.memory_space<vmem>> -> memref<1x72x64xf32, #tpu.memory_space<vmem>>
    %dma_start3A_78 = tpu.memref_squeeze %dma_start3A_77 : memref<1x72x64xf32, #tpu.memory_space<vmem>> -> memref<72x64xf32, #tpu.memory_space<vmem>>
    %dma_start3A_79 = arith.constant 0 : i32
    %dma_start3A_80 = tpu.memref_slice %arg5[%dma_start3A_72, %dma_start3A_73, %dma_start3A_79] : memref<2x128x128xi32, #tpu.memory_space<vmem>> -> memref<1x1x72xi32, #tpu.memory_space<vmem>>
    %dma_start3A_81 = tpu.memref_squeeze %dma_start3A_80 : memref<1x1x72xi32, #tpu.memory_space<vmem>> -> memref<72xi32, #tpu.memory_space<vmem>>
    %dma_start3A_82 = arith.constant 0 : i32
    %dma_start3A_83 = arith.constant 0 : i32
    %dma_start3A_84 = tpu.memref_slice %arg3[%dma_start3A_82, %dma_start3A_83] : memref<1000000x64xf32, #tpu.memory_space<hbm>> -> memref<1000000x64xf32, #tpu.memory_space<hbm>>
    tpu.enqueue_indirect_dma source(%dma_start3A_84 : memref<1000000x64xf32, #tpu.memory_space<hbm>>) target(%dma_start3A_78 : memref<72x64xf32, #tpu.memory_space<vmem>>) offsets(%dma_start3A_81 : memref<72xi32, #tpu.memory_space<vmem>>) semaphore(%arg13 : memref<!tpu.dma_semaphore, #tpu.memory_space<semaphore_mem>>)
    %dma_start3A_85 = arith.constant 0 : i32
    %dma_start3A_86 = arith.constant 3 : i32
    %dma_start3A_87 = arith.constant 3 : i32
    %dma_start3A_88 = arith.constant 0 : i32
    %dma_start3A_89 = arith.constant 0 : i32
    %dma_start3A_90 = tpu.memref_slice %arg6[%dma_start3A_87, %dma_start3A_88, %dma_start3A_89] : memref<4x200x64xf32, #tpu.memory_space<vmem>> -> memref<1x128x64xf32, #tpu.memory_space<vmem>>
    %dma_start3A_91 = tpu.memref_squeeze %dma_start3A_90 : memref<1x128x64xf32, #tpu.memory_space<vmem>> -> memref<128x64xf32, #tpu.memory_space<vmem>>
    %dma_start3A_92 = arith.constant 0 : i32
    %dma_start3A_93 = tpu.memref_slice %arg5[%dma_start3A_85, %dma_start3A_86, %dma_start3A_92] : memref<2x128x128xi32, #tpu.memory_space<vmem>> -> memref<1x1x128xi32, #tpu.memory_space<vmem>>
    %dma_start3A_94 = tpu.memref_squeeze %dma_start3A_93 : memref<1x1x128xi32, #tpu.memory_space<vmem>> -> memref<128xi32, #tpu.memory_space<vmem>>
    %dma_start3A_95 = arith.constant 0 : i32
    %dma_start3A_96 = arith.constant 0 : i32
    %dma_start3A_97 = tpu.memref_slice %arg3[%dma_start3A_95, %dma_start3A_96] : memref<1000000x64xf32, #tpu.memory_space<hbm>> -> memref<1000000x64xf32, #tpu.memory_space<hbm>>
    tpu.enqueue_indirect_dma source(%dma_start3A_97 : memref<1000000x64xf32, #tpu.memory_space<hbm>>) target(%dma_start3A_91 : memref<128x64xf32, #tpu.memory_space<vmem>>) offsets(%dma_start3A_94 : memref<128xi32, #tpu.memory_space<vmem>>) semaphore(%arg14 : memref<!tpu.dma_semaphore, #tpu.memory_space<semaphore_mem>>)
    %dma_start3A_98 = arith.constant 1 : i32
    %dma_start3A_99 = arith.constant 3 : i32
    %dma_start3A_100 = arith.constant 3 : i32
    %dma_start3A_101 = arith.constant 128 : i32
    %dma_start3A_102 = arith.constant 0 : i32
    %dma_start3A_103 = tpu.memref_slice %arg6[%dma_start3A_100, %dma_start3A_101, %dma_start3A_102] : memref<4x200x64xf32, #tpu.memory_space<vmem>> -> memref<1x72x64xf32, #tpu.memory_space<vmem>>
    %dma_start3A_104 = tpu.memref_squeeze %dma_start3A_103 : memref<1x72x64xf32, #tpu.memory_space<vmem>> -> memref<72x64xf32, #tpu.memory_space<vmem>>
    %dma_start3A_105 = arith.constant 0 : i32
    %dma_start3A_106 = tpu.memref_slice %arg5[%dma_start3A_98, %dma_start3A_99, %dma_start3A_105] : memref<2x128x128xi32, #tpu.memory_space<vmem>> -> memref<1x1x72xi32, #tpu.memory_space<vmem>>
    %dma_start3A_107 = tpu.memref_squeeze %dma_start3A_106 : memref<1x1x72xi32, #tpu.memory_space<vmem>> -> memref<72xi32, #tpu.memory_space<vmem>>
    %dma_start3A_108 = arith.constant 0 : i32
    %dma_start3A_109 = arith.constant 0 : i32
    %dma_start3A_110 = tpu.memref_slice %arg3[%dma_start3A_108, %dma_start3A_109] : memref<1000000x64xf32, #tpu.memory_space<hbm>> -> memref<1000000x64xf32, #tpu.memory_space<hbm>>
    tpu.enqueue_indirect_dma source(%dma_start3A_110 : memref<1000000x64xf32, #tpu.memory_space<hbm>>) target(%dma_start3A_104 : memref<72x64xf32, #tpu.memory_space<vmem>>) offsets(%dma_start3A_107 : memref<72xi32, #tpu.memory_space<vmem>>) semaphore(%arg15 : memref<!tpu.dma_semaphore, #tpu.memory_space<semaphore_mem>>)
    %broadcast_in_dim3A = arith.constant 0.000000e+00 : f32
    %broadcast_in_dim3A_111 = vector.broadcast %broadcast_in_dim3A : f32 to vector<16xf32>
    %scan3A = arith.constant 0 : i32
    %scan3A_112 = arith.constant 5.000000e-03 : f32
    %scan3A_113 = arith.constant 0 : i32
    %scan3A_114 = arith.constant 32 : i32
    %scan3A_115 = arith.addi %scan3A_113, %scan3A_114 : i32
    %scan3A_116 = arith.constant 1 : i32
    scf.for %scan3A_120 = %scan3A_113 to %scan3A_115 step %scan3A_116  : i32 {
      %mul3A_121 = arith.constant 4 : i32
      %mul3A_122 = arith.muli %scan3A_120, %mul3A_121 : i32
      %add3A_123 = arith.constant 0 : i32
      %add3A_124 = arith.addi %mul3A_122, %add3A_123 : i32
      %dma_wait3A = arith.constant 0 : i32
      %dma_wait3A_125 = arith.constant 0 : i32
      %dma_wait3A_126 = arith.constant 0 : i32
      %dma_wait3A_127 = arith.constant 0 : i32
      %dma_wait3A_128 = tpu.memref_slice %arg6[%dma_wait3A_125, %dma_wait3A_126, %dma_wait3A_127] : memref<4x200x64xf32, #tpu.memory_space<vmem>> -> memref<1x128x64xf32, #tpu.memory_space<vmem>>
      %dma_wait3A_129 = tpu.memref_squeeze %dma_wait3A_128 : memref<1x128x64xf32, #tpu.memory_space<vmem>> -> memref<128x64xf32, #tpu.memory_space<vmem>>
      %dma_wait3A_130 = arith.constant 0 : i32
      %dma_wait3A_131 = tpu.memref_slice %arg5[%dma_wait3A, %add3A_124, %dma_wait3A_130] : memref<2x128x128xi32, #tpu.memory_space<vmem>> -> memref<1x1x128xi32, #tpu.memory_space<vmem>>
      %dma_wait3A_132 = tpu.memref_squeeze %dma_wait3A_131 : memref<1x1x128xi32, #tpu.memory_space<vmem>> -> memref<128xi32, #tpu.memory_space<vmem>>
      %dma_wait3A_133 = arith.constant 0 : i32
      %dma_wait3A_134 = arith.constant 0 : i32
      %dma_wait3A_135 = tpu.memref_slice %arg3[%dma_wait3A_133, %dma_wait3A_134] : memref<1000000x64xf32, #tpu.memory_space<hbm>> -> memref<1000000x64xf32, #tpu.memory_space<hbm>>
      tpu.wait_indirect_dma semaphore(%arg8 : memref<!tpu.dma_semaphore, #tpu.memory_space<semaphore_mem>>) src(%dma_wait3A_135 : memref<1000000x64xf32, #tpu.memory_space<hbm>>) dst(%dma_wait3A_129 : memref<128x64xf32, #tpu.memory_space<vmem>>)
      %dma_wait3A_136 = arith.constant 1 : i32
      %dma_wait3A_137 = arith.constant 0 : i32
      %dma_wait3A_138 = arith.constant 128 : i32
      %dma_wait3A_139 = arith.constant 0 : i32
      %dma_wait3A_140 = tpu.memref_slice %arg6[%dma_wait3A_137, %dma_wait3A_138, %dma_wait3A_139] : memref<4x200x64xf32, #tpu.memory_space<vmem>> -> memref<1x72x64xf32, #tpu.memory_space<vmem>>
      %dma_wait3A_141 = tpu.memref_squeeze %dma_wait3A_140 : memref<1x72x64xf32, #tpu.memory_space<vmem>> -> memref<72x64xf32, #tpu.memory_space<vmem>>
      %dma_wait3A_142 = arith.constant 0 : i32
      %dma_wait3A_143 = tpu.memref_slice %arg5[%dma_wait3A_136, %add3A_124, %dma_wait3A_142] : memref<2x128x128xi32, #tpu.memory_space<vmem>> -> memref<1x1x72xi32, #tpu.memory_space<vmem>>
      %dma_wait3A_144 = tpu.memref_squeeze %dma_wait3A_143 : memref<1x1x72xi32, #tpu.memory_space<vmem>> -> memref<72xi32, #tpu.memory_space<vmem>>
      %dma_wait3A_145 = arith.constant 0 : i32
      %dma_wait3A_146 = arith.constant 0 : i32
      %dma_wait3A_147 = tpu.memref_slice %arg3[%dma_wait3A_145, %dma_wait3A_146] : memref<1000000x64xf32, #tpu.memory_space<hbm>> -> memref<1000000x64xf32, #tpu.memory_space<hbm>>
      tpu.wait_indirect_dma semaphore(%arg9 : memref<!tpu.dma_semaphore, #tpu.memory_space<semaphore_mem>>) src(%dma_wait3A_147 : memref<1000000x64xf32, #tpu.memory_space<hbm>>) dst(%dma_wait3A_141 : memref<72x64xf32, #tpu.memory_space<vmem>>)
      %scan3A_148 = arith.constant 0 : i32
      %scan3A_149 = arith.constant 200 : i32
      %scan3A_150 = arith.addi %scan3A_148, %scan3A_149 : i32
      %scan3A_151 = arith.constant 1 : i32
      %scan3A_152:4 = scf.for %scan3A_392 = %scan3A_148 to %scan3A_150 step %scan3A_151 iter_args(%scan3A_393 = %broadcast_in_dim3A_111, %scan3A_394 = %broadcast_in_dim3A_111, %scan3A_395 = %broadcast_in_dim3A_111, %scan3A_396 = %broadcast_in_dim3A_111) -> (vector<16xf32>, vector<16xf32>, vector<16xf32>, vector<16xf32>)  : i32 {
        %get3A = arith.constant 0 : i32
        %get3A_397 = arith.index_cast %get3A : i32 to index
        %get3A_398 = arith.index_cast %scan3A_392 : i32 to index
        %get3A_399 = arith.constant 0 : index
        %get3A_400 = tpu.vector_load %arg6[%get3A_397, %get3A_398, %get3A_399] {strides = array<i32>} : memref<4x200x64xf32, #tpu.memory_space<vmem>>, vector<1x1x16xf32>,
        %get3A_401 = vector.shape_cast %get3A_400 : vector<1x1x16xf32> to vector<16xf32>
        %add3A_402 = arith.addf %scan3A_393, %get3A_401 : vector<16xf32>
        %get3A_403 = arith.constant 0 : i32
        %get3A_404 = arith.index_cast %get3A_403 : i32 to index
        %get3A_405 = arith.index_cast %scan3A_392 : i32 to index
        %get3A_406 = arith.constant 16 : index
        %get3A_407 = tpu.vector_load %arg6[%get3A_404, %get3A_405, %get3A_406] {strides = array<i32>} : memref<4x200x64xf32, #tpu.memory_space<vmem>>, vector<1x1x16xf32>,
        %get3A_408 = vector.shape_cast %get3A_407 : vector<1x1x16xf32> to vector<16xf32>
        %add3A_409 = arith.addf %scan3A_394, %get3A_408 : vector<16xf32>
        %get3A_410 = arith.constant 0 : i32
        %get3A_411 = arith.index_cast %get3A_410 : i32 to index
        %get3A_412 = arith.index_cast %scan3A_392 : i32 to index
        %get3A_413 = arith.constant 32 : index
        %get3A_414 = tpu.vector_load %arg6[%get3A_411, %get3A_412, %get3A_413] {strides = array<i32>} : memref<4x200x64xf32, #tpu.memory_space<vmem>>, vector<1x1x16xf32>,
        %get3A_415 = vector.shape_cast %get3A_414 : vector<1x1x16xf32> to vector<16xf32>
        %add3A_416 = arith.addf %scan3A_395, %get3A_415 : vector<16xf32>
        %get3A_417 = arith.constant 0 : i32
        %get3A_418 = arith.index_cast %get3A_417 : i32 to index
        %get3A_419 = arith.index_cast %scan3A_392 : i32 to index
        %get3A_420 = arith.constant 48 : index
        %get3A_421 = tpu.vector_load %arg6[%get3A_418, %get3A_419, %get3A_420] {strides = array<i32>} : memref<4x200x64xf32, #tpu.memory_space<vmem>>, vector<1x1x16xf32>,
        %get3A_422 = vector.shape_cast %get3A_421 : vector<1x1x16xf32> to vector<16xf32>
        %add3A_423 = arith.addf %scan3A_396, %get3A_422 : vector<16xf32>
        scf.yield %add3A_402, %add3A_409, %add3A_416, %add3A_423 : vector<16xf32>, vector<16xf32>, vector<16xf32>, vector<16xf32>
      }
      %scan3A_153 = arith.constant 200 : i32
      %add3A_154 = arith.constant 4 : i32
      %add3A_155 = arith.addi %add3A_124, %add3A_154 : i32
      %lt3A = arith.constant 128 : i32
      %lt3A_156 = arith.cmpi slt, %add3A_155, %lt3A : i32
      %convert_element_type3A = arith.extui %lt3A_156 : i1 to i32
      %cond3A = arith.constant 0 : i32
      %cond3A_157 = arith.cmpi ne, %convert_element_type3A, %cond3A : i32
      scf.if %cond3A_157 {
        %add3A_392 = arith.constant 4 : i32
        %add3A_393 = arith.addi %add3A_124, %add3A_392 : i32
        %dma_start3A_394 = arith.constant 0 : i32
        %dma_start3A_395 = arith.constant 0 : i32
        %dma_start3A_396 = arith.constant 0 : i32
        %dma_start3A_397 = arith.constant 0 : i32
        %dma_start3A_398 = tpu.memref_slice %arg6[%dma_start3A_395, %dma_start3A_396, %dma_start3A_397] : memref<4x200x64xf32, #tpu.memory_space<vmem>> -> memref<1x128x64xf32, #tpu.memory_space<vmem>>
        %dma_start3A_399 = tpu.memref_squeeze %dma_start3A_398 : memref<1x128x64xf32, #tpu.memory_space<vmem>> -> memref<128x64xf32, #tpu.memory_space<vmem>>
        %dma_start3A_400 = arith.constant 0 : i32
        %dma_start3A_401 = tpu.memref_slice %arg5[%dma_start3A_394, %add3A_393, %dma_start3A_400] : memref<2x128x128xi32, #tpu.memory_space<vmem>> -> memref<1x1x128xi32, #tpu.memory_space<vmem>>
        %dma_start3A_402 = tpu.memref_squeeze %dma_start3A_401 : memref<1x1x128xi32, #tpu.memory_space<vmem>> -> memref<128xi32, #tpu.memory_space<vmem>>
        %dma_start3A_403 = arith.constant 0 : i32
        %dma_start3A_404 = arith.constant 0 : i32
        %dma_start3A_405 = tpu.memref_slice %arg3[%dma_start3A_403, %dma_start3A_404] : memref<1000000x64xf32, #tpu.memory_space<hbm>> -> memref<1000000x64xf32, #tpu.memory_space<hbm>>
        tpu.enqueue_indirect_dma source(%dma_start3A_405 : memref<1000000x64xf32, #tpu.memory_space<hbm>>) target(%dma_start3A_399 : memref<128x64xf32, #tpu.memory_space<vmem>>) offsets(%dma_start3A_402 : memref<128xi32, #tpu.memory_space<vmem>>) semaphore(%arg8 : memref<!tpu.dma_semaphore, #tpu.memory_space<semaphore_mem>>)
        %dma_start3A_406 = arith.constant 1 : i32
        %dma_start3A_407 = arith.constant 0 : i32
        %dma_start3A_408 = arith.constant 128 : i32
        %dma_start3A_409 = arith.constant 0 : i32
        %dma_start3A_410 = tpu.memref_slice %arg6[%dma_start3A_407, %dma_start3A_408, %dma_start3A_409] : memref<4x200x64xf32, #tpu.memory_space<vmem>> -> memref<1x72x64xf32, #tpu.memory_space<vmem>>
        %dma_start3A_411 = tpu.memref_squeeze %dma_start3A_410 : memref<1x72x64xf32, #tpu.memory_space<vmem>> -> memref<72x64xf32, #tpu.memory_space<vmem>>
        %dma_start3A_412 = arith.constant 0 : i32
        %dma_start3A_413 = tpu.memref_slice %arg5[%dma_start3A_406, %add3A_393, %dma_start3A_412] : memref<2x128x128xi32, #tpu.memory_space<vmem>> -> memref<1x1x72xi32, #tpu.memory_space<vmem>>
        %dma_start3A_414 = tpu.memref_squeeze %dma_start3A_413 : memref<1x1x72xi32, #tpu.memory_space<vmem>> -> memref<72xi32, #tpu.memory_space<vmem>>
        %dma_start3A_415 = arith.constant 0 : i32
        %dma_start3A_416 = arith.constant 0 : i32
        %dma_start3A_417 = tpu.memref_slice %arg3[%dma_start3A_415, %dma_start3A_416] : memref<1000000x64xf32, #tpu.memory_space<hbm>> -> memref<1000000x64xf32, #tpu.memory_space<hbm>>
        tpu.enqueue_indirect_dma source(%dma_start3A_417 : memref<1000000x64xf32, #tpu.memory_space<hbm>>) target(%dma_start3A_411 : memref<72x64xf32, #tpu.memory_space<vmem>>) offsets(%dma_start3A_414 : memref<72xi32, #tpu.memory_space<vmem>>) semaphore(%arg9 : memref<!tpu.dma_semaphore, #tpu.memory_space<semaphore_mem>>)
      } else {
      }
      %mul3A_158 = vector.broadcast %scan3A_112 : f32 to vector<16xf32>
      %mul3A_159 = arith.mulf %scan3A_152#0, %mul3A_158 : vector<16xf32>
      %swap3A = arith.index_cast %add3A_124 : i32 to index
      %swap3A_160 = arith.constant 0 : index
      %swap3A_161 = tpu.vector_load %arg7[%swap3A, %swap3A_160] {strides = array<i32>} : memref<128x64xf32, #tpu.memory_space<vmem>>, vector<1x16xf32>,
      %swap3A_162 = vector.shape_cast %swap3A_161 : vector<1x16xf32> to vector<16xf32>
      %swap3A_163 = vector.shape_cast %mul3A_159 : vector<16xf32> to vector<1x16xf32>
      tpu.vector_store %arg7[%swap3A, %swap3A_160], %swap3A_163 {strides = array<i32>} : memref<128x64xf32, #tpu.memory_space<vmem>>, vector<1x16xf32>,
      %mul3A_164 = vector.broadcast %scan3A_112 : f32 to vector<16xf32>
      %mul3A_165 = arith.mulf %scan3A_152#1, %mul3A_164 : vector<16xf32>
      %swap3A_166 = arith.index_cast %add3A_124 : i32 to index
      %swap3A_167 = arith.constant 16 : index
      %swap3A_168 = tpu.vector_load %arg7[%swap3A_166, %swap3A_167] {strides = array<i32>} : memref<128x64xf32, #tpu.memory_space<vmem>>, vector<1x16xf32>,
      %swap3A_169 = vector.shape_cast %swap3A_168 : vector<1x16xf32> to vector<16xf32>
      %swap3A_170 = vector.shape_cast %mul3A_165 : vector<16xf32> to vector<1x16xf32>
      tpu.vector_store %arg7[%swap3A_166, %swap3A_167], %swap3A_170 {strides = array<i32>} : memref<128x64xf32, #tpu.memory_space<vmem>>, vector<1x16xf32>,
      %mul3A_171 = vector.broadcast %scan3A_112 : f32 to vector<16xf32>
      %mul3A_172 = arith.mulf %scan3A_152#2, %mul3A_171 : vector<16xf32>
      %swap3A_173 = arith.index_cast %add3A_124 : i32 to index
      %swap3A_174 = arith.constant 32 : index
      %swap3A_175 = tpu.vector_load %arg7[%swap3A_173, %swap3A_174] {strides = array<i32>} : memref<128x64xf32, #tpu.memory_space<vmem>>, vector<1x16xf32>,
      %swap3A_176 = vector.shape_cast %swap3A_175 : vector<1x16xf32> to vector<16xf32>
      %swap3A_177 = vector.shape_cast %mul3A_172 : vector<16xf32> to vector<1x16xf32>
      tpu.vector_store %arg7[%swap3A_173, %swap3A_174], %swap3A_177 {strides = array<i32>} : memref<128x64xf32, #tpu.memory_space<vmem>>, vector<1x16xf32>,
      %mul3A_178 = vector.broadcast %scan3A_112 : f32 to vector<16xf32>
      %mul3A_179 = arith.mulf %scan3A_152#3, %mul3A_178 : vector<16xf32>
      %swap3A_180 = arith.index_cast %add3A_124 : i32 to index
      %swap3A_181 = arith.constant 48 : index
      %swap3A_182 = tpu.vector_load %arg7[%swap3A_180, %swap3A_181] {strides = array<i32>} : memref<128x64xf32, #tpu.memory_space<vmem>>, vector<1x16xf32>,
      %swap3A_183 = vector.shape_cast %swap3A_182 : vector<1x16xf32> to vector<16xf32>
      %swap3A_184 = vector.shape_cast %mul3A_179 : vector<16xf32> to vector<1x16xf32>
      tpu.vector_store %arg7[%swap3A_180, %swap3A_181], %swap3A_184 {strides = array<i32>} : memref<128x64xf32, #tpu.memory_space<vmem>>, vector<1x16xf32>,
      %mul3A_185 = arith.constant 4 : i32
      %mul3A_186 = arith.muli %scan3A_120, %mul3A_185 : i32
      %add3A_187 = arith.constant 1 : i32
      %add3A_188 = arith.addi %mul3A_186, %add3A_187 : i32
      %dma_wait3A_189 = arith.constant 0 : i32
      %dma_wait3A_190 = arith.constant 1 : i32
      %dma_wait3A_191 = arith.constant 0 : i32
      %dma_wait3A_192 = arith.constant 0 : i32
      %dma_wait3A_193 = tpu.memref_slice %arg6[%dma_wait3A_190, %dma_wait3A_191, %dma_wait3A_192] : memref<4x200x64xf32, #tpu.memory_space<vmem>> -> memref<1x128x64xf32, #tpu.memory_space<vmem>>
      %dma_wait3A_194 = tpu.memref_squeeze %dma_wait3A_193 : memref<1x128x64xf32, #tpu.memory_space<vmem>> -> memref<128x64xf32, #tpu.memory_space<vmem>>
      %dma_wait3A_195 = arith.constant 0 : i32
      %dma_wait3A_196 = tpu.memref_slice %arg5[%dma_wait3A_189, %add3A_188, %dma_wait3A_195] : memref<2x128x128xi32, #tpu.memory_space<vmem>> -> memref<1x1x128xi32, #tpu.memory_space<vmem>>
      %dma_wait3A_197 = tpu.memref_squeeze %dma_wait3A_196 : memref<1x1x128xi32, #tpu.memory_space<vmem>> -> memref<128xi32, #tpu.memory_space<vmem>>
      %dma_wait3A_198 = arith.constant 0 : i32
      %dma_wait3A_199 = arith.constant 0 : i32
      %dma_wait3A_200 = tpu.memref_slice %arg3[%dma_wait3A_198, %dma_wait3A_199] : memref<1000000x64xf32, #tpu.memory_space<hbm>> -> memref<1000000x64xf32, #tpu.memory_space<hbm>>
      tpu.wait_indirect_dma semaphore(%arg10 : memref<!tpu.dma_semaphore, #tpu.memory_space<semaphore_mem>>) src(%dma_wait3A_200 : memref<1000000x64xf32, #tpu.memory_space<hbm>>) dst(%dma_wait3A_194 : memref<128x64xf32, #tpu.memory_space<vmem>>)
      %dma_wait3A_201 = arith.constant 1 : i32
      %dma_wait3A_202 = arith.constant 1 : i32
      %dma_wait3A_203 = arith.constant 128 : i32
      %dma_wait3A_204 = arith.constant 0 : i32
      %dma_wait3A_205 = tpu.memref_slice %arg6[%dma_wait3A_202, %dma_wait3A_203, %dma_wait3A_204] : memref<4x200x64xf32, #tpu.memory_space<vmem>> -> memref<1x72x64xf32, #tpu.memory_space<vmem>>
      %dma_wait3A_206 = tpu.memref_squeeze %dma_wait3A_205 : memref<1x72x64xf32, #tpu.memory_space<vmem>> -> memref<72x64xf32, #tpu.memory_space<vmem>>
      %dma_wait3A_207 = arith.constant 0 : i32
      %dma_wait3A_208 = tpu.memref_slice %arg5[%dma_wait3A_201, %add3A_188, %dma_wait3A_207] : memref<2x128x128xi32, #tpu.memory_space<vmem>> -> memref<1x1x72xi32, #tpu.memory_space<vmem>>
      %dma_wait3A_209 = tpu.memref_squeeze %dma_wait3A_208 : memref<1x1x72xi32, #tpu.memory_space<vmem>> -> memref<72xi32, #tpu.memory_space<vmem>>
      %dma_wait3A_210 = arith.constant 0 : i32
      %dma_wait3A_211 = arith.constant 0 : i32
      %dma_wait3A_212 = tpu.memref_slice %arg3[%dma_wait3A_210, %dma_wait3A_211] : memref<1000000x64xf32, #tpu.memory_space<hbm>> -> memref<1000000x64xf32, #tpu.memory_space<hbm>>
      tpu.wait_indirect_dma semaphore(%arg11 : memref<!tpu.dma_semaphore, #tpu.memory_space<semaphore_mem>>) src(%dma_wait3A_212 : memref<1000000x64xf32, #tpu.memory_space<hbm>>) dst(%dma_wait3A_206 : memref<72x64xf32, #tpu.memory_space<vmem>>)
      %scan3A_213 = arith.constant 0 : i32
      %scan3A_214 = arith.constant 200 : i32
      %scan3A_215 = arith.addi %scan3A_213, %scan3A_214 : i32
      %scan3A_216 = arith.constant 1 : i32
      %scan3A_217:4 = scf.for %scan3A_392 = %scan3A_213 to %scan3A_215 step %scan3A_216 iter_args(%scan3A_393 = %broadcast_in_dim3A_111, %scan3A_394 = %broadcast_in_dim3A_111, %scan3A_395 = %broadcast_in_dim3A_111, %scan3A_396 = %broadcast_in_dim3A_111) -> (vector<16xf32>, vector<16xf32>, vector<16xf32>, vector<16xf32>)  : i32 {
        %get3A = arith.constant 1 : i32
        %get3A_397 = arith.index_cast %get3A : i32 to index
        %get3A_398 = arith.index_cast %scan3A_392 : i32 to index
        %get3A_399 = arith.constant 0 : index
        %get3A_400 = tpu.vector_load %arg6[%get3A_397, %get3A_398, %get3A_399] {strides = array<i32>} : memref<4x200x64xf32, #tpu.memory_space<vmem>>, vector<1x1x16xf32>,
        %get3A_401 = vector.shape_cast %get3A_400 : vector<1x1x16xf32> to vector<16xf32>
        %add3A_402 = arith.addf %scan3A_393, %get3A_401 : vector<16xf32>
        %get3A_403 = arith.constant 1 : i32
        %get3A_404 = arith.index_cast %get3A_403 : i32 to index
        %get3A_405 = arith.index_cast %scan3A_392 : i32 to index
        %get3A_406 = arith.constant 16 : index
        %get3A_407 = tpu.vector_load %arg6[%get3A_404, %get3A_405, %get3A_406] {strides = array<i32>} : memref<4x200x64xf32, #tpu.memory_space<vmem>>, vector<1x1x16xf32>,
        %get3A_408 = vector.shape_cast %get3A_407 : vector<1x1x16xf32> to vector<16xf32>
        %add3A_409 = arith.addf %scan3A_394, %get3A_408 : vector<16xf32>
        %get3A_410 = arith.constant 1 : i32
        %get3A_411 = arith.index_cast %get3A_410 : i32 to index
        %get3A_412 = arith.index_cast %scan3A_392 : i32 to index
        %get3A_413 = arith.constant 32 : index
        %get3A_414 = tpu.vector_load %arg6[%get3A_411, %get3A_412, %get3A_413] {strides = array<i32>} : memref<4x200x64xf32, #tpu.memory_space<vmem>>, vector<1x1x16xf32>,
        %get3A_415 = vector.shape_cast %get3A_414 : vector<1x1x16xf32> to vector<16xf32>
        %add3A_416 = arith.addf %scan3A_395, %get3A_415 : vector<16xf32>
        %get3A_417 = arith.constant 1 : i32
        %get3A_418 = arith.index_cast %get3A_417 : i32 to index
        %get3A_419 = arith.index_cast %scan3A_392 : i32 to index
        %get3A_420 = arith.constant 48 : index
        %get3A_421 = tpu.vector_load %arg6[%get3A_418, %get3A_419, %get3A_420] {strides = array<i32>} : memref<4x200x64xf32, #tpu.memory_space<vmem>>, vector<1x1x16xf32>,
        %get3A_422 = vector.shape_cast %get3A_421 : vector<1x1x16xf32> to vector<16xf32>
        %add3A_423 = arith.addf %scan3A_396, %get3A_422 : vector<16xf32>
        scf.yield %add3A_402, %add3A_409, %add3A_416, %add3A_423 : vector<16xf32>, vector<16xf32>, vector<16xf32>, vector<16xf32>
      }
      %scan3A_218 = arith.constant 200 : i32
      %add3A_219 = arith.constant 4 : i32
      %add3A_220 = arith.addi %add3A_188, %add3A_219 : i32
      %lt3A_221 = arith.constant 128 : i32
      %lt3A_222 = arith.cmpi slt, %add3A_220, %lt3A_221 : i32
      %convert_element_type3A_223 = arith.extui %lt3A_222 : i1 to i32
      %cond3A_224 = arith.constant 0 : i32
      %cond3A_225 = arith.cmpi ne, %convert_element_type3A_223, %cond3A_224 : i32
      scf.if %cond3A_225 {
        %add3A_392 = arith.constant 4 : i32
        %add3A_393 = arith.addi %add3A_188, %add3A_392 : i32
        %dma_start3A_394 = arith.constant 0 : i32
        %dma_start3A_395 = arith.constant 1 : i32
        %dma_start3A_396 = arith.constant 0 : i32
        %dma_start3A_397 = arith.constant 0 : i32
        %dma_start3A_398 = tpu.memref_slice %arg6[%dma_start3A_395, %dma_start3A_396, %dma_start3A_397] : memref<4x200x64xf32, #tpu.memory_space<vmem>> -> memref<1x128x64xf32, #tpu.memory_space<vmem>>
        %dma_start3A_399 = tpu.memref_squeeze %dma_start3A_398 : memref<1x128x64xf32, #tpu.memory_space<vmem>> -> memref<128x64xf32, #tpu.memory_space<vmem>>
        %dma_start3A_400 = arith.constant 0 : i32
        %dma_start3A_401 = tpu.memref_slice %arg5[%dma_start3A_394, %add3A_393, %dma_start3A_400] : memref<2x128x128xi32, #tpu.memory_space<vmem>> -> memref<1x1x128xi32, #tpu.memory_space<vmem>>
        %dma_start3A_402 = tpu.memref_squeeze %dma_start3A_401 : memref<1x1x128xi32, #tpu.memory_space<vmem>> -> memref<128xi32, #tpu.memory_space<vmem>>
        %dma_start3A_403 = arith.constant 0 : i32
        %dma_start3A_404 = arith.constant 0 : i32
        %dma_start3A_405 = tpu.memref_slice %arg3[%dma_start3A_403, %dma_start3A_404] : memref<1000000x64xf32, #tpu.memory_space<hbm>> -> memref<1000000x64xf32, #tpu.memory_space<hbm>>
        tpu.enqueue_indirect_dma source(%dma_start3A_405 : memref<1000000x64xf32, #tpu.memory_space<hbm>>) target(%dma_start3A_399 : memref<128x64xf32, #tpu.memory_space<vmem>>) offsets(%dma_start3A_402 : memref<128xi32, #tpu.memory_space<vmem>>) semaphore(%arg10 : memref<!tpu.dma_semaphore, #tpu.memory_space<semaphore_mem>>)
        %dma_start3A_406 = arith.constant 1 : i32
        %dma_start3A_407 = arith.constant 1 : i32
        %dma_start3A_408 = arith.constant 128 : i32
        %dma_start3A_409 = arith.constant 0 : i32
        %dma_start3A_410 = tpu.memref_slice %arg6[%dma_start3A_407, %dma_start3A_408, %dma_start3A_409] : memref<4x200x64xf32, #tpu.memory_space<vmem>> -> memref<1x72x64xf32, #tpu.memory_space<vmem>>
        %dma_start3A_411 = tpu.memref_squeeze %dma_start3A_410 : memref<1x72x64xf32, #tpu.memory_space<vmem>> -> memref<72x64xf32, #tpu.memory_space<vmem>>
        %dma_start3A_412 = arith.constant 0 : i32
        %dma_start3A_413 = tpu.memref_slice %arg5[%dma_start3A_406, %add3A_393, %dma_start3A_412] : memref<2x128x128xi32, #tpu.memory_space<vmem>> -> memref<1x1x72xi32, #tpu.memory_space<vmem>>
        %dma_start3A_414 = tpu.memref_squeeze %dma_start3A_413 : memref<1x1x72xi32, #tpu.memory_space<vmem>> -> memref<72xi32, #tpu.memory_space<vmem>>
        %dma_start3A_415 = arith.constant 0 : i32
        %dma_start3A_416 = arith.constant 0 : i32
        %dma_start3A_417 = tpu.memref_slice %arg3[%dma_start3A_415, %dma_start3A_416] : memref<1000000x64xf32, #tpu.memory_space<hbm>> -> memref<1000000x64xf32, #tpu.memory_space<hbm>>
        tpu.enqueue_indirect_dma source(%dma_start3A_417 : memref<1000000x64xf32, #tpu.memory_space<hbm>>) target(%dma_start3A_411 : memref<72x64xf32, #tpu.memory_space<vmem>>) offsets(%dma_start3A_414 : memref<72xi32, #tpu.memory_space<vmem>>) semaphore(%arg11 : memref<!tpu.dma_semaphore, #tpu.memory_space<semaphore_mem>>)
      } else {
      }
      %mul3A_226 = vector.broadcast %scan3A_112 : f32 to vector<16xf32>
      %mul3A_227 = arith.mulf %scan3A_217#0, %mul3A_226 : vector<16xf32>
      %swap3A_228 = arith.index_cast %add3A_188 : i32 to index
      %swap3A_229 = arith.constant 0 : index
      %swap3A_230 = tpu.vector_load %arg7[%swap3A_228, %swap3A_229] {strides = array<i32>} : memref<128x64xf32, #tpu.memory_space<vmem>>, vector<1x16xf32>,
      %swap3A_231 = vector.shape_cast %swap3A_230 : vector<1x16xf32> to vector<16xf32>
      %swap3A_232 = vector.shape_cast %mul3A_227 : vector<16xf32> to vector<1x16xf32>
      tpu.vector_store %arg7[%swap3A_228, %swap3A_229], %swap3A_232 {strides = array<i32>} : memref<128x64xf32, #tpu.memory_space<vmem>>, vector<1x16xf32>,
      %mul3A_233 = vector.broadcast %scan3A_112 : f32 to vector<16xf32>
      %mul3A_234 = arith.mulf %scan3A_217#1, %mul3A_233 : vector<16xf32>
      %swap3A_235 = arith.index_cast %add3A_188 : i32 to index
      %swap3A_236 = arith.constant 16 : index
      %swap3A_237 = tpu.vector_load %arg7[%swap3A_235, %swap3A_236] {strides = array<i32>} : memref<128x64xf32, #tpu.memory_space<vmem>>, vector<1x16xf32>,
      %swap3A_238 = vector.shape_cast %swap3A_237 : vector<1x16xf32> to vector<16xf32>
      %swap3A_239 = vector.shape_cast %mul3A_234 : vector<16xf32> to vector<1x16xf32>
      tpu.vector_store %arg7[%swap3A_235, %swap3A_236], %swap3A_239 {strides = array<i32>} : memref<128x64xf32, #tpu.memory_space<vmem>>, vector<1x16xf32>,
      %mul3A_240 = vector.broadcast %scan3A_112 : f32 to vector<16xf32>
      %mul3A_241 = arith.mulf %scan3A_217#2, %mul3A_240 : vector<16xf32>
      %swap3A_242 = arith.index_cast %add3A_188 : i32 to index
      %swap3A_243 = arith.constant 32 : index
      %swap3A_244 = tpu.vector_load %arg7[%swap3A_242, %swap3A_243] {strides = array<i32>} : memref<128x64xf32, #tpu.memory_space<vmem>>, vector<1x16xf32>,
      %swap3A_245 = vector.shape_cast %swap3A_244 : vector<1x16xf32> to vector<16xf32>
      %swap3A_246 = vector.shape_cast %mul3A_241 : vector<16xf32> to vector<1x16xf32>
      tpu.vector_store %arg7[%swap3A_242, %swap3A_243], %swap3A_246 {strides = array<i32>} : memref<128x64xf32, #tpu.memory_space<vmem>>, vector<1x16xf32>,
      %mul3A_247 = vector.broadcast %scan3A_112 : f32 to vector<16xf32>
      %mul3A_248 = arith.mulf %scan3A_217#3, %mul3A_247 : vector<16xf32>
      %swap3A_249 = arith.index_cast %add3A_188 : i32 to index
      %swap3A_250 = arith.constant 48 : index
      %swap3A_251 = tpu.vector_load %arg7[%swap3A_249, %swap3A_250] {strides = array<i32>} : memref<128x64xf32, #tpu.memory_space<vmem>>, vector<1x16xf32>,
      %swap3A_252 = vector.shape_cast %swap3A_251 : vector<1x16xf32> to vector<16xf32>
      %swap3A_253 = vector.shape_cast %mul3A_248 : vector<16xf32> to vector<1x16xf32>
      tpu.vector_store %arg7[%swap3A_249, %swap3A_250], %swap3A_253 {strides = array<i32>} : memref<128x64xf32, #tpu.memory_space<vmem>>, vector<1x16xf32>,
      %mul3A_254 = arith.constant 4 : i32
      %mul3A_255 = arith.muli %scan3A_120, %mul3A_254 : i32
      %add3A_256 = arith.constant 2 : i32
      %add3A_257 = arith.addi %mul3A_255, %add3A_256 : i32
      %dma_wait3A_258 = arith.constant 0 : i32
      %dma_wait3A_259 = arith.constant 2 : i32
      %dma_wait3A_260 = arith.constant 0 : i32
      %dma_wait3A_261 = arith.constant 0 : i32
      %dma_wait3A_262 = tpu.memref_slice %arg6[%dma_wait3A_259, %dma_wait3A_260, %dma_wait3A_261] : memref<4x200x64xf32, #tpu.memory_space<vmem>> -> memref<1x128x64xf32, #tpu.memory_space<vmem>>
      %dma_wait3A_263 = tpu.memref_squeeze %dma_wait3A_262 : memref<1x128x64xf32, #tpu.memory_space<vmem>> -> memref<128x64xf32, #tpu.memory_space<vmem>>
      %dma_wait3A_264 = arith.constant 0 : i32
      %dma_wait3A_265 = tpu.memref_slice %arg5[%dma_wait3A_258, %add3A_257, %dma_wait3A_264] : memref<2x128x128xi32, #tpu.memory_space<vmem>> -> memref<1x1x128xi32, #tpu.memory_space<vmem>>
      %dma_wait3A_266 = tpu.memref_squeeze %dma_wait3A_265 : memref<1x1x128xi32, #tpu.memory_space<vmem>> -> memref<128xi32, #tpu.memory_space<vmem>>
      %dma_wait3A_267 = arith.constant 0 : i32
      %dma_wait3A_268 = arith.constant 0 : i32
      %dma_wait3A_269 = tpu.memref_slice %arg3[%dma_wait3A_267, %dma_wait3A_268] : memref<1000000x64xf32, #tpu.memory_space<hbm>> -> memref<1000000x64xf32, #tpu.memory_space<hbm>>
      tpu.wait_indirect_dma semaphore(%arg12 : memref<!tpu.dma_semaphore, #tpu.memory_space<semaphore_mem>>) src(%dma_wait3A_269 : memref<1000000x64xf32, #tpu.memory_space<hbm>>) dst(%dma_wait3A_263 : memref<128x64xf32, #tpu.memory_space<vmem>>)
      %dma_wait3A_270 = arith.constant 1 : i32
      %dma_wait3A_271 = arith.constant 2 : i32
      %dma_wait3A_272 = arith.constant 128 : i32
      %dma_wait3A_273 = arith.constant 0 : i32
      %dma_wait3A_274 = tpu.memref_slice %arg6[%dma_wait3A_271, %dma_wait3A_272, %dma_wait3A_273] : memref<4x200x64xf32, #tpu.memory_space<vmem>> -> memref<1x72x64xf32, #tpu.memory_space<vmem>>
      %dma_wait3A_275 = tpu.memref_squeeze %dma_wait3A_274 : memref<1x72x64xf32, #tpu.memory_space<vmem>> -> memref<72x64xf32, #tpu.memory_space<vmem>>
      %dma_wait3A_276 = arith.constant 0 : i32
      %dma_wait3A_277 = tpu.memref_slice %arg5[%dma_wait3A_270, %add3A_257, %dma_wait3A_276] : memref<2x128x128xi32, #tpu.memory_space<vmem>> -> memref<1x1x72xi32, #tpu.memory_space<vmem>>
      %dma_wait3A_278 = tpu.memref_squeeze %dma_wait3A_277 : memref<1x1x72xi32, #tpu.memory_space<vmem>> -> memref<72xi32, #tpu.memory_space<vmem>>
      %dma_wait3A_279 = arith.constant 0 : i32
      %dma_wait3A_280 = arith.constant 0 : i32
      %dma_wait3A_281 = tpu.memref_slice %arg3[%dma_wait3A_279, %dma_wait3A_280] : memref<1000000x64xf32, #tpu.memory_space<hbm>> -> memref<1000000x64xf32, #tpu.memory_space<hbm>>
      tpu.wait_indirect_dma semaphore(%arg13 : memref<!tpu.dma_semaphore, #tpu.memory_space<semaphore_mem>>) src(%dma_wait3A_281 : memref<1000000x64xf32, #tpu.memory_space<hbm>>) dst(%dma_wait3A_275 : memref<72x64xf32, #tpu.memory_space<vmem>>)
      %scan3A_282 = arith.constant 0 : i32
      %scan3A_283 = arith.constant 200 : i32
      %scan3A_284 = arith.addi %scan3A_282, %scan3A_283 : i32
      %scan3A_285 = arith.constant 1 : i32
      %scan3A_286:4 = scf.for %scan3A_392 = %scan3A_282 to %scan3A_284 step %scan3A_285 iter_args(%scan3A_393 = %broadcast_in_dim3A_111, %scan3A_394 = %broadcast_in_dim3A_111, %scan3A_395 = %broadcast_in_dim3A_111, %scan3A_396 = %broadcast_in_dim3A_111) -> (vector<16xf32>, vector<16xf32>, vector<16xf32>, vector<16xf32>)  : i32 {
        %get3A = arith.constant 2 : i32
        %get3A_397 = arith.index_cast %get3A : i32 to index
        %get3A_398 = arith.index_cast %scan3A_392 : i32 to index
        %get3A_399 = arith.constant 0 : index
        %get3A_400 = tpu.vector_load %arg6[%get3A_397, %get3A_398, %get3A_399] {strides = array<i32>} : memref<4x200x64xf32, #tpu.memory_space<vmem>>, vector<1x1x16xf32>,
        %get3A_401 = vector.shape_cast %get3A_400 : vector<1x1x16xf32> to vector<16xf32>
        %add3A_402 = arith.addf %scan3A_393, %get3A_401 : vector<16xf32>
        %get3A_403 = arith.constant 2 : i32
        %get3A_404 = arith.index_cast %get3A_403 : i32 to index
        %get3A_405 = arith.index_cast %scan3A_392 : i32 to index
        %get3A_406 = arith.constant 16 : index
        %get3A_407 = tpu.vector_load %arg6[%get3A_404, %get3A_405, %get3A_406] {strides = array<i32>} : memref<4x200x64xf32, #tpu.memory_space<vmem>>, vector<1x1x16xf32>,
        %get3A_408 = vector.shape_cast %get3A_407 : vector<1x1x16xf32> to vector<16xf32>
        %add3A_409 = arith.addf %scan3A_394, %get3A_408 : vector<16xf32>
        %get3A_410 = arith.constant 2 : i32
        %get3A_411 = arith.index_cast %get3A_410 : i32 to index
        %get3A_412 = arith.index_cast %scan3A_392 : i32 to index
        %get3A_413 = arith.constant 32 : index
        %get3A_414 = tpu.vector_load %arg6[%get3A_411, %get3A_412, %get3A_413] {strides = array<i32>} : memref<4x200x64xf32, #tpu.memory_space<vmem>>, vector<1x1x16xf32>,
        %get3A_415 = vector.shape_cast %get3A_414 : vector<1x1x16xf32> to vector<16xf32>
        %add3A_416 = arith.addf %scan3A_395, %get3A_415 : vector<16xf32>
        %get3A_417 = arith.constant 2 : i32
        %get3A_418 = arith.index_cast %get3A_417 : i32 to index
        %get3A_419 = arith.index_cast %scan3A_392 : i32 to index
        %get3A_420 = arith.constant 48 : index
        %get3A_421 = tpu.vector_load %arg6[%get3A_418, %get3A_419, %get3A_420] {strides = array<i32>} : memref<4x200x64xf32, #tpu.memory_space<vmem>>, vector<1x1x16xf32>,
        %get3A_422 = vector.shape_cast %get3A_421 : vector<1x1x16xf32> to vector<16xf32>
        %add3A_423 = arith.addf %scan3A_396, %get3A_422 : vector<16xf32>
        scf.yield %add3A_402, %add3A_409, %add3A_416, %add3A_423 : vector<16xf32>, vector<16xf32>, vector<16xf32>, vector<16xf32>
      }
      %scan3A_287 = arith.constant 200 : i32
      %add3A_288 = arith.constant 4 : i32
      %add3A_289 = arith.addi %add3A_257, %add3A_288 : i32
      %lt3A_290 = arith.constant 128 : i32
      %lt3A_291 = arith.cmpi slt, %add3A_289, %lt3A_290 : i32
      %convert_element_type3A_292 = arith.extui %lt3A_291 : i1 to i32
      %cond3A_293 = arith.constant 0 : i32
      %cond3A_294 = arith.cmpi ne, %convert_element_type3A_292, %cond3A_293 : i32
      scf.if %cond3A_294 {
        %add3A_392 = arith.constant 4 : i32
        %add3A_393 = arith.addi %add3A_257, %add3A_392 : i32
        %dma_start3A_394 = arith.constant 0 : i32
        %dma_start3A_395 = arith.constant 2 : i32
        %dma_start3A_396 = arith.constant 0 : i32
        %dma_start3A_397 = arith.constant 0 : i32
        %dma_start3A_398 = tpu.memref_slice %arg6[%dma_start3A_395, %dma_start3A_396, %dma_start3A_397] : memref<4x200x64xf32, #tpu.memory_space<vmem>> -> memref<1x128x64xf32, #tpu.memory_space<vmem>>
        %dma_start3A_399 = tpu.memref_squeeze %dma_start3A_398 : memref<1x128x64xf32, #tpu.memory_space<vmem>> -> memref<128x64xf32, #tpu.memory_space<vmem>>
        %dma_start3A_400 = arith.constant 0 : i32
        %dma_start3A_401 = tpu.memref_slice %arg5[%dma_start3A_394, %add3A_393, %dma_start3A_400] : memref<2x128x128xi32, #tpu.memory_space<vmem>> -> memref<1x1x128xi32, #tpu.memory_space<vmem>>
        %dma_start3A_402 = tpu.memref_squeeze %dma_start3A_401 : memref<1x1x128xi32, #tpu.memory_space<vmem>> -> memref<128xi32, #tpu.memory_space<vmem>>
        %dma_start3A_403 = arith.constant 0 : i32
        %dma_start3A_404 = arith.constant 0 : i32
        %dma_start3A_405 = tpu.memref_slice %arg3[%dma_start3A_403, %dma_start3A_404] : memref<1000000x64xf32, #tpu.memory_space<hbm>> -> memref<1000000x64xf32, #tpu.memory_space<hbm>>
        tpu.enqueue_indirect_dma source(%dma_start3A_405 : memref<1000000x64xf32, #tpu.memory_space<hbm>>) target(%dma_start3A_399 : memref<128x64xf32, #tpu.memory_space<vmem>>) offsets(%dma_start3A_402 : memref<128xi32, #tpu.memory_space<vmem>>) semaphore(%arg12 : memref<!tpu.dma_semaphore, #tpu.memory_space<semaphore_mem>>)
        %dma_start3A_406 = arith.constant 1 : i32
        %dma_start3A_407 = arith.constant 2 : i32
        %dma_start3A_408 = arith.constant 128 : i32
        %dma_start3A_409 = arith.constant 0 : i32
        %dma_start3A_410 = tpu.memref_slice %arg6[%dma_start3A_407, %dma_start3A_408, %dma_start3A_409] : memref<4x200x64xf32, #tpu.memory_space<vmem>> -> memref<1x72x64xf32, #tpu.memory_space<vmem>>
        %dma_start3A_411 = tpu.memref_squeeze %dma_start3A_410 : memref<1x72x64xf32, #tpu.memory_space<vmem>> -> memref<72x64xf32, #tpu.memory_space<vmem>>
        %dma_start3A_412 = arith.constant 0 : i32
        %dma_start3A_413 = tpu.memref_slice %arg5[%dma_start3A_406, %add3A_393, %dma_start3A_412] : memref<2x128x128xi32, #tpu.memory_space<vmem>> -> memref<1x1x72xi32, #tpu.memory_space<vmem>>
        %dma_start3A_414 = tpu.memref_squeeze %dma_start3A_413 : memref<1x1x72xi32, #tpu.memory_space<vmem>> -> memref<72xi32, #tpu.memory_space<vmem>>
        %dma_start3A_415 = arith.constant 0 : i32
        %dma_start3A_416 = arith.constant 0 : i32
        %dma_start3A_417 = tpu.memref_slice %arg3[%dma_start3A_415, %dma_start3A_416] : memref<1000000x64xf32, #tpu.memory_space<hbm>> -> memref<1000000x64xf32, #tpu.memory_space<hbm>>
        tpu.enqueue_indirect_dma source(%dma_start3A_417 : memref<1000000x64xf32, #tpu.memory_space<hbm>>) target(%dma_start3A_411 : memref<72x64xf32, #tpu.memory_space<vmem>>) offsets(%dma_start3A_414 : memref<72xi32, #tpu.memory_space<vmem>>) semaphore(%arg13 : memref<!tpu.dma_semaphore, #tpu.memory_space<semaphore_mem>>)
      } else {
      }
      %mul3A_295 = vector.broadcast %scan3A_112 : f32 to vector<16xf32>
      %mul3A_296 = arith.mulf %scan3A_286#0, %mul3A_295 : vector<16xf32>
      %swap3A_297 = arith.index_cast %add3A_257 : i32 to index
      %swap3A_298 = arith.constant 0 : index
      %swap3A_299 = tpu.vector_load %arg7[%swap3A_297, %swap3A_298] {strides = array<i32>} : memref<128x64xf32, #tpu.memory_space<vmem>>, vector<1x16xf32>,
      %swap3A_300 = vector.shape_cast %swap3A_299 : vector<1x16xf32> to vector<16xf32>
      %swap3A_301 = vector.shape_cast %mul3A_296 : vector<16xf32> to vector<1x16xf32>
      tpu.vector_store %arg7[%swap3A_297, %swap3A_298], %swap3A_301 {strides = array<i32>} : memref<128x64xf32, #tpu.memory_space<vmem>>, vector<1x16xf32>,
      %mul3A_302 = vector.broadcast %scan3A_112 : f32 to vector<16xf32>
      %mul3A_303 = arith.mulf %scan3A_286#1, %mul3A_302 : vector<16xf32>
      %swap3A_304 = arith.index_cast %add3A_257 : i32 to index
      %swap3A_305 = arith.constant 16 : index
      %swap3A_306 = tpu.vector_load %arg7[%swap3A_304, %swap3A_305] {strides = array<i32>} : memref<128x64xf32, #tpu.memory_space<vmem>>, vector<1x16xf32>,
      %swap3A_307 = vector.shape_cast %swap3A_306 : vector<1x16xf32> to vector<16xf32>
      %swap3A_308 = vector.shape_cast %mul3A_303 : vector<16xf32> to vector<1x16xf32>
      tpu.vector_store %arg7[%swap3A_304, %swap3A_305], %swap3A_308 {strides = array<i32>} : memref<128x64xf32, #tpu.memory_space<vmem>>, vector<1x16xf32>,
      %mul3A_309 = vector.broadcast %scan3A_112 : f32 to vector<16xf32>
      %mul3A_310 = arith.mulf %scan3A_286#2, %mul3A_309 : vector<16xf32>
      %swap3A_311 = arith.index_cast %add3A_257 : i32 to index
      %swap3A_312 = arith.constant 32 : index
      %swap3A_313 = tpu.vector_load %arg7[%swap3A_311, %swap3A_312] {strides = array<i32>} : memref<128x64xf32, #tpu.memory_space<vmem>>, vector<1x16xf32>,
      %swap3A_314 = vector.shape_cast %swap3A_313 : vector<1x16xf32> to vector<16xf32>
      %swap3A_315 = vector.shape_cast %mul3A_310 : vector<16xf32> to vector<1x16xf32>
      tpu.vector_store %arg7[%swap3A_311, %swap3A_312], %swap3A_315 {strides = array<i32>} : memref<128x64xf32, #tpu.memory_space<vmem>>, vector<1x16xf32>,
      %mul3A_316 = vector.broadcast %scan3A_112 : f32 to vector<16xf32>
      %mul3A_317 = arith.mulf %scan3A_286#3, %mul3A_316 : vector<16xf32>
      %swap3A_318 = arith.index_cast %add3A_257 : i32 to index
      %swap3A_319 = arith.constant 48 : index
      %swap3A_320 = tpu.vector_load %arg7[%swap3A_318, %swap3A_319] {strides = array<i32>} : memref<128x64xf32, #tpu.memory_space<vmem>>, vector<1x16xf32>,
      %swap3A_321 = vector.shape_cast %swap3A_320 : vector<1x16xf32> to vector<16xf32>
      %swap3A_322 = vector.shape_cast %mul3A_317 : vector<16xf32> to vector<1x16xf32>
      tpu.vector_store %arg7[%swap3A_318, %swap3A_319], %swap3A_322 {strides = array<i32>} : memref<128x64xf32, #tpu.memory_space<vmem>>, vector<1x16xf32>,
      %mul3A_323 = arith.constant 4 : i32
      %mul3A_324 = arith.muli %scan3A_120, %mul3A_323 : i32
      %add3A_325 = arith.constant 3 : i32
      %add3A_326 = arith.addi %mul3A_324, %add3A_325 : i32
      %dma_wait3A_327 = arith.constant 0 : i32
      %dma_wait3A_328 = arith.constant 3 : i32
      %dma_wait3A_329 = arith.constant 0 : i32
      %dma_wait3A_330 = arith.constant 0 : i32
      %dma_wait3A_331 = tpu.memref_slice %arg6[%dma_wait3A_328, %dma_wait3A_329, %dma_wait3A_330] : memref<4x200x64xf32, #tpu.memory_space<vmem>> -> memref<1x128x64xf32, #tpu.memory_space<vmem>>
      %dma_wait3A_332 = tpu.memref_squeeze %dma_wait3A_331 : memref<1x128x64xf32, #tpu.memory_space<vmem>> -> memref<128x64xf32, #tpu.memory_space<vmem>>
      %dma_wait3A_333 = arith.constant 0 : i32
      %dma_wait3A_334 = tpu.memref_slice %arg5[%dma_wait3A_327, %add3A_326, %dma_wait3A_333] : memref<2x128x128xi32, #tpu.memory_space<vmem>> -> memref<1x1x128xi32, #tpu.memory_space<vmem>>
      %dma_wait3A_335 = tpu.memref_squeeze %dma_wait3A_334 : memref<1x1x128xi32, #tpu.memory_space<vmem>> -> memref<128xi32, #tpu.memory_space<vmem>>
      %dma_wait3A_336 = arith.constant 0 : i32
      %dma_wait3A_337 = arith.constant 0 : i32
      %dma_wait3A_338 = tpu.memref_slice %arg3[%dma_wait3A_336, %dma_wait3A_337] : memref<1000000x64xf32, #tpu.memory_space<hbm>> -> memref<1000000x64xf32, #tpu.memory_space<hbm>>
      tpu.wait_indirect_dma semaphore(%arg14 : memref<!tpu.dma_semaphore, #tpu.memory_space<semaphore_mem>>) src(%dma_wait3A_338 : memref<1000000x64xf32, #tpu.memory_space<hbm>>) dst(%dma_wait3A_332 : memref<128x64xf32, #tpu.memory_space<vmem>>)
      %dma_wait3A_339 = arith.constant 1 : i32
      %dma_wait3A_340 = arith.constant 3 : i32
      %dma_wait3A_341 = arith.constant 128 : i32
      %dma_wait3A_342 = arith.constant 0 : i32
      %dma_wait3A_343 = tpu.memref_slice %arg6[%dma_wait3A_340, %dma_wait3A_341, %dma_wait3A_342] : memref<4x200x64xf32, #tpu.memory_space<vmem>> -> memref<1x72x64xf32, #tpu.memory_space<vmem>>
      %dma_wait3A_344 = tpu.memref_squeeze %dma_wait3A_343 : memref<1x72x64xf32, #tpu.memory_space<vmem>> -> memref<72x64xf32, #tpu.memory_space<vmem>>
      %dma_wait3A_345 = arith.constant 0 : i32
      %dma_wait3A_346 = tpu.memref_slice %arg5[%dma_wait3A_339, %add3A_326, %dma_wait3A_345] : memref<2x128x128xi32, #tpu.memory_space<vmem>> -> memref<1x1x72xi32, #tpu.memory_space<vmem>>
      %dma_wait3A_347 = tpu.memref_squeeze %dma_wait3A_346 : memref<1x1x72xi32, #tpu.memory_space<vmem>> -> memref<72xi32, #tpu.memory_space<vmem>>
      %dma_wait3A_348 = arith.constant 0 : i32
      %dma_wait3A_349 = arith.constant 0 : i32
      %dma_wait3A_350 = tpu.memref_slice %arg3[%dma_wait3A_348, %dma_wait3A_349] : memref<1000000x64xf32, #tpu.memory_space<hbm>> -> memref<1000000x64xf32, #tpu.memory_space<hbm>>
      tpu.wait_indirect_dma semaphore(%arg15 : memref<!tpu.dma_semaphore, #tpu.memory_space<semaphore_mem>>) src(%dma_wait3A_350 : memref<1000000x64xf32, #tpu.memory_space<hbm>>) dst(%dma_wait3A_344 : memref<72x64xf32, #tpu.memory_space<vmem>>)
      %scan3A_351 = arith.constant 0 : i32
      %scan3A_352 = arith.constant 200 : i32
      %scan3A_353 = arith.addi %scan3A_351, %scan3A_352 : i32
      %scan3A_354 = arith.constant 1 : i32
      %scan3A_355:4 = scf.for %scan3A_392 = %scan3A_351 to %scan3A_353 step %scan3A_354 iter_args(%scan3A_393 = %broadcast_in_dim3A_111, %scan3A_394 = %broadcast_in_dim3A_111, %scan3A_395 = %broadcast_in_dim3A_111, %scan3A_396 = %broadcast_in_dim3A_111) -> (vector<16xf32>, vector<16xf32>, vector<16xf32>, vector<16xf32>)  : i32 {
        %get3A = arith.constant 3 : i32
        %get3A_397 = arith.index_cast %get3A : i32 to index
        %get3A_398 = arith.index_cast %scan3A_392 : i32 to index
        %get3A_399 = arith.constant 0 : index
        %get3A_400 = tpu.vector_load %arg6[%get3A_397, %get3A_398, %get3A_399] {strides = array<i32>} : memref<4x200x64xf32, #tpu.memory_space<vmem>>, vector<1x1x16xf32>,
        %get3A_401 = vector.shape_cast %get3A_400 : vector<1x1x16xf32> to vector<16xf32>
        %add3A_402 = arith.addf %scan3A_393, %get3A_401 : vector<16xf32>
        %get3A_403 = arith.constant 3 : i32
        %get3A_404 = arith.index_cast %get3A_403 : i32 to index
        %get3A_405 = arith.index_cast %scan3A_392 : i32 to index
        %get3A_406 = arith.constant 16 : index
        %get3A_407 = tpu.vector_load %arg6[%get3A_404, %get3A_405, %get3A_406] {strides = array<i32>} : memref<4x200x64xf32, #tpu.memory_space<vmem>>, vector<1x1x16xf32>,
        %get3A_408 = vector.shape_cast %get3A_407 : vector<1x1x16xf32> to vector<16xf32>
        %add3A_409 = arith.addf %scan3A_394, %get3A_408 : vector<16xf32>
        %get3A_410 = arith.constant 3 : i32
        %get3A_411 = arith.index_cast %get3A_410 : i32 to index
        %get3A_412 = arith.index_cast %scan3A_392 : i32 to index
        %get3A_413 = arith.constant 32 : index
        %get3A_414 = tpu.vector_load %arg6[%get3A_411, %get3A_412, %get3A_413] {strides = array<i32>} : memref<4x200x64xf32, #tpu.memory_space<vmem>>, vector<1x1x16xf32>,
        %get3A_415 = vector.shape_cast %get3A_414 : vector<1x1x16xf32> to vector<16xf32>
        %add3A_416 = arith.addf %scan3A_395, %get3A_415 : vector<16xf32>
        %get3A_417 = arith.constant 3 : i32
        %get3A_418 = arith.index_cast %get3A_417 : i32 to index
        %get3A_419 = arith.index_cast %scan3A_392 : i32 to index
        %get3A_420 = arith.constant 48 : index
        %get3A_421 = tpu.vector_load %arg6[%get3A_418, %get3A_419, %get3A_420] {strides = array<i32>} : memref<4x200x64xf32, #tpu.memory_space<vmem>>, vector<1x1x16xf32>,
        %get3A_422 = vector.shape_cast %get3A_421 : vector<1x1x16xf32> to vector<16xf32>
        %add3A_423 = arith.addf %scan3A_396, %get3A_422 : vector<16xf32>
        scf.yield %add3A_402, %add3A_409, %add3A_416, %add3A_423 : vector<16xf32>, vector<16xf32>, vector<16xf32>, vector<16xf32>
      }
      %scan3A_356 = arith.constant 200 : i32
      %add3A_357 = arith.constant 4 : i32
      %add3A_358 = arith.addi %add3A_326, %add3A_357 : i32
      %lt3A_359 = arith.constant 128 : i32
      %lt3A_360 = arith.cmpi slt, %add3A_358, %lt3A_359 : i32
      %convert_element_type3A_361 = arith.extui %lt3A_360 : i1 to i32
      %cond3A_362 = arith.constant 0 : i32
      %cond3A_363 = arith.cmpi ne, %convert_element_type3A_361, %cond3A_362 : i32
      scf.if %cond3A_363 {
        %add3A_392 = arith.constant 4 : i32
        %add3A_393 = arith.addi %add3A_326, %add3A_392 : i32
        %dma_start3A_394 = arith.constant 0 : i32
        %dma_start3A_395 = arith.constant 3 : i32
        %dma_start3A_396 = arith.constant 0 : i32
        %dma_start3A_397 = arith.constant 0 : i32
        %dma_start3A_398 = tpu.memref_slice %arg6[%dma_start3A_395, %dma_start3A_396, %dma_start3A_397] : memref<4x200x64xf32, #tpu.memory_space<vmem>> -> memref<1x128x64xf32, #tpu.memory_space<vmem>>
        %dma_start3A_399 = tpu.memref_squeeze %dma_start3A_398 : memref<1x128x64xf32, #tpu.memory_space<vmem>> -> memref<128x64xf32, #tpu.memory_space<vmem>>
        %dma_start3A_400 = arith.constant 0 : i32
        %dma_start3A_401 = tpu.memref_slice %arg5[%dma_start3A_394, %add3A_393, %dma_start3A_400] : memref<2x128x128xi32, #tpu.memory_space<vmem>> -> memref<1x1x128xi32, #tpu.memory_space<vmem>>
        %dma_start3A_402 = tpu.memref_squeeze %dma_start3A_401 : memref<1x1x128xi32, #tpu.memory_space<vmem>> -> memref<128xi32, #tpu.memory_space<vmem>>
        %dma_start3A_403 = arith.constant 0 : i32
        %dma_start3A_404 = arith.constant 0 : i32
        %dma_start3A_405 = tpu.memref_slice %arg3[%dma_start3A_403, %dma_start3A_404] : memref<1000000x64xf32, #tpu.memory_space<hbm>> -> memref<1000000x64xf32, #tpu.memory_space<hbm>>
        tpu.enqueue_indirect_dma source(%dma_start3A_405 : memref<1000000x64xf32, #tpu.memory_space<hbm>>) target(%dma_start3A_399 : memref<128x64xf32, #tpu.memory_space<vmem>>) offsets(%dma_start3A_402 : memref<128xi32, #tpu.memory_space<vmem>>) semaphore(%arg14 : memref<!tpu.dma_semaphore, #tpu.memory_space<semaphore_mem>>)
        %dma_start3A_406 = arith.constant 1 : i32
        %dma_start3A_407 = arith.constant 3 : i32
        %dma_start3A_408 = arith.constant 128 : i32
        %dma_start3A_409 = arith.constant 0 : i32
        %dma_start3A_410 = tpu.memref_slice %arg6[%dma_start3A_407, %dma_start3A_408, %dma_start3A_409] : memref<4x200x64xf32, #tpu.memory_space<vmem>> -> memref<1x72x64xf32, #tpu.memory_space<vmem>>
        %dma_start3A_411 = tpu.memref_squeeze %dma_start3A_410 : memref<1x72x64xf32, #tpu.memory_space<vmem>> -> memref<72x64xf32, #tpu.memory_space<vmem>>
        %dma_start3A_412 = arith.constant 0 : i32
        %dma_start3A_413 = tpu.memref_slice %arg5[%dma_start3A_406, %add3A_393, %dma_start3A_412] : memref<2x128x128xi32, #tpu.memory_space<vmem>> -> memref<1x1x72xi32, #tpu.memory_space<vmem>>
        %dma_start3A_414 = tpu.memref_squeeze %dma_start3A_413 : memref<1x1x72xi32, #tpu.memory_space<vmem>> -> memref<72xi32, #tpu.memory_space<vmem>>
        %dma_start3A_415 = arith.constant 0 : i32
        %dma_start3A_416 = arith.constant 0 : i32
        %dma_start3A_417 = tpu.memref_slice %arg3[%dma_start3A_415, %dma_start3A_416] : memref<1000000x64xf32, #tpu.memory_space<hbm>> -> memref<1000000x64xf32, #tpu.memory_space<hbm>>
        tpu.enqueue_indirect_dma source(%dma_start3A_417 : memref<1000000x64xf32, #tpu.memory_space<hbm>>) target(%dma_start3A_411 : memref<72x64xf32, #tpu.memory_space<vmem>>) offsets(%dma_start3A_414 : memref<72xi32, #tpu.memory_space<vmem>>) semaphore(%arg15 : memref<!tpu.dma_semaphore, #tpu.memory_space<semaphore_mem>>)
      } else {
      }
      %mul3A_364 = vector.broadcast %scan3A_112 : f32 to vector<16xf32>
      %mul3A_365 = arith.mulf %scan3A_355#0, %mul3A_364 : vector<16xf32>
      %swap3A_366 = arith.index_cast %add3A_326 : i32 to index
      %swap3A_367 = arith.constant 0 : index
      %swap3A_368 = tpu.vector_load %arg7[%swap3A_366, %swap3A_367] {strides = array<i32>} : memref<128x64xf32, #tpu.memory_space<vmem>>, vector<1x16xf32>,
      %swap3A_369 = vector.shape_cast %swap3A_368 : vector<1x16xf32> to vector<16xf32>
      %swap3A_370 = vector.shape_cast %mul3A_365 : vector<16xf32> to vector<1x16xf32>
      tpu.vector_store %arg7[%swap3A_366, %swap3A_367], %swap3A_370 {strides = array<i32>} : memref<128x64xf32, #tpu.memory_space<vmem>>, vector<1x16xf32>,
      %mul3A_371 = vector.broadcast %scan3A_112 : f32 to vector<16xf32>
      %mul3A_372 = arith.mulf %scan3A_355#1, %mul3A_371 : vector<16xf32>
      %swap3A_373 = arith.index_cast %add3A_326 : i32 to index
      %swap3A_374 = arith.constant 16 : index
      %swap3A_375 = tpu.vector_load %arg7[%swap3A_373, %swap3A_374] {strides = array<i32>} : memref<128x64xf32, #tpu.memory_space<vmem>>, vector<1x16xf32>,
      %swap3A_376 = vector.shape_cast %swap3A_375 : vector<1x16xf32> to vector<16xf32>
      %swap3A_377 = vector.shape_cast %mul3A_372 : vector<16xf32> to vector<1x16xf32>
      tpu.vector_store %arg7[%swap3A_373, %swap3A_374], %swap3A_377 {strides = array<i32>} : memref<128x64xf32, #tpu.memory_space<vmem>>, vector<1x16xf32>,
      %mul3A_378 = vector.broadcast %scan3A_112 : f32 to vector<16xf32>
      %mul3A_379 = arith.mulf %scan3A_355#2, %mul3A_378 : vector<16xf32>
      %swap3A_380 = arith.index_cast %add3A_326 : i32 to index
      %swap3A_381 = arith.constant 32 : index
      %swap3A_382 = tpu.vector_load %arg7[%swap3A_380, %swap3A_381] {strides = array<i32>} : memref<128x64xf32, #tpu.memory_space<vmem>>, vector<1x16xf32>,
      %swap3A_383 = vector.shape_cast %swap3A_382 : vector<1x16xf32> to vector<16xf32>
      %swap3A_384 = vector.shape_cast %mul3A_379 : vector<16xf32> to vector<1x16xf32>
      tpu.vector_store %arg7[%swap3A_380, %swap3A_381], %swap3A_384 {strides = array<i32>} : memref<128x64xf32, #tpu.memory_space<vmem>>, vector<1x16xf32>,
      %mul3A_385 = vector.broadcast %scan3A_112 : f32 to vector<16xf32>
      %mul3A_386 = arith.mulf %scan3A_355#3, %mul3A_385 : vector<16xf32>
      %swap3A_387 = arith.index_cast %add3A_326 : i32 to index
      %swap3A_388 = arith.constant 48 : index
      %swap3A_389 = tpu.vector_load %arg7[%swap3A_387, %swap3A_388] {strides = array<i32>} : memref<128x64xf32, #tpu.memory_space<vmem>>, vector<1x16xf32>,
      %swap3A_390 = vector.shape_cast %swap3A_389 : vector<1x16xf32> to vector<16xf32>
      %swap3A_391 = vector.shape_cast %mul3A_386 : vector<16xf32> to vector<1x16xf32>
      tpu.vector_store %arg7[%swap3A_387, %swap3A_388], %swap3A_391 {strides = array<i32>} : memref<128x64xf32, #tpu.memory_space<vmem>>, vector<1x16xf32>,
    }
    %scan3A_117 = arith.constant 32 : i32
    %mul3A_118 = arith.constant 128 : i32
    %mul3A_119 = arith.muli %add3A, %mul3A_118 : i32
    "tpu.region"() ({
      %run_scoped3A_120 = tpu.sem_alloc : memref<!tpu.dma_semaphore, #tpu.memory_space<semaphore_mem>>
      %dma_start3A_121 = arith.constant 0 : i32
      %dma_start3A_122 = tpu.memref_slice %arg4[%mul3A_119, %dma_start3A_121] : memref<4096x64xf32, #tpu.memory_space<hbm>> -> memref<128x64xf32, #tpu.memory_space<hbm>>
      %dma_start3A_123 = arith.constant 0 : i32
      %dma_start3A_124 = tpu.memref_slice %arg4[%mul3A_119, %dma_start3A_123] : memref<4096x64xf32, #tpu.memory_space<hbm>> -> memref<128x64xf32, #tpu.memory_space<hbm>>
      tpu.enqueue_dma source(%arg7 : memref<128x64xf32, #tpu.memory_space<vmem>>) target(%dma_start3A_124 : memref<128x64xf32, #tpu.memory_space<hbm>>) target_semaphore(%run_scoped3A_120 : memref<!tpu.dma_semaphore, #tpu.memory_space<semaphore_mem>>)
      %dma_wait3A = arith.constant 0 : i32
      %dma_wait3A_125 = tpu.memref_slice %arg4[%mul3A_119, %dma_wait3A] : memref<4096x64xf32, #tpu.memory_space<hbm>> -> memref<128x64xf32, #tpu.memory_space<hbm>>
      %dma_wait3A_126 = arith.constant 0 : i32
      %dma_wait3A_127 = tpu.memref_slice %arg4[%mul3A_119, %dma_wait3A_126] : memref<4096x64xf32, #tpu.memory_space<hbm>> -> memref<128x64xf32, #tpu.memory_space<hbm>>
      tpu.wait_dma2 semaphore(%run_scoped3A_120 : memref<!tpu.dma_semaphore, #tpu.memory_space<semaphore_mem>>) src(%arg7 : memref<128x64xf32, #tpu.memory_space<vmem>>) dst(%dma_wait3A_127 : memref<128x64xf32, #tpu.memory_space<hbm>>)
      tpu.yield
    }) : () -> ()
    return
  }
}

module attributes {stable_mosaic.version = 14 : i64} {
  func.func @_repack_body(%arg0: memref<4096x200xi32, #tpu.memory_space<vmem>>, %arg1: memref<2x4096x128xi32, #tpu.memory_space<vmem>>) attributes {dimension_semantics = [], scalar_prefetch = 0 : i64, scratch_operands = 0 : i64, tpu.core_type = #tpu.core_type<tc>} {
    %get3A = arith.constant 0 : index
    %get3A_0 = arith.constant 0 : index
    %get3A_1 = vector.load %arg0[%get3A, %get3A_0] : memref<4096x200xi32, #tpu.memory_space<vmem>>, vector<4096x128xi32>
    %swap3A = arith.constant 0 : index
    %swap3A_2 = arith.constant 0 : index
    %swap3A_3 = arith.constant 0 : index
    %swap3A_4 = vector.load %arg1[%swap3A, %swap3A_2, %swap3A_3] : memref<2x4096x128xi32, #tpu.memory_space<vmem>>, vector<1x4096x128xi32>
    %swap3A_5 = vector.shape_cast %swap3A_4 : vector<1x4096x128xi32> to vector<4096x128xi32>
    %swap3A_6 = vector.shape_cast %get3A_1 : vector<4096x128xi32> to vector<1x4096x128xi32>
    tpu.vector_store %arg1[%swap3A, %swap3A_2, %swap3A_3], %swap3A_6 {strides = array<i32>} : memref<2x4096x128xi32, #tpu.memory_space<vmem>>, vector<1x4096x128xi32>,
    %get3A_7 = arith.constant 0 : index
    %get3A_8 = arith.constant 128 : index
    %get3A_9 = vector.load %arg0[%get3A_7, %get3A_8] : memref<4096x200xi32, #tpu.memory_space<vmem>>, vector<4096x72xi32>
    %broadcast_in_dim3A = arith.constant 0 : i32
    %broadcast_in_dim3A_10 = vector.broadcast %broadcast_in_dim3A : i32 to vector<4096x56xi32>
    %concatenate3A = tpu.concatenate %get3A_9, %broadcast_in_dim3A_10 in 1 : vector<4096x72xi32>, vector<4096x56xi32> -> vector<4096x128xi32>
    %swap3A_11 = arith.constant 1 : index
    %swap3A_12 = arith.constant 0 : index
    %swap3A_13 = arith.constant 0 : index
    %swap3A_14 = vector.load %arg1[%swap3A_11, %swap3A_12, %swap3A_13] : memref<2x4096x128xi32, #tpu.memory_space<vmem>>, vector<1x4096x128xi32>
    %swap3A_15 = vector.shape_cast %swap3A_14 : vector<1x4096x128xi32> to vector<4096x128xi32>
    %swap3A_16 = vector.shape_cast %concatenate3A : vector<4096x128xi32> to vector<1x4096x128xi32>
    tpu.vector_store %arg1[%swap3A_11, %swap3A_12, %swap3A_13], %swap3A_16 {strides = array<i32>} : memref<2x4096x128xi32, #tpu.memory_space<vmem>>, vector<1x4096x128xi32>,
    return
  }
}

module attributes {stable_mosaic.version = 14 : i64} {
  func.func @_tc_head_body(%arg0: i32, %arg1: memref<512x64xf32, #tpu.memory_space<vmem>>, %arg2: memref<64x128xf32, #tpu.memory_space<vmem>>, %arg3: memref<1x128xf32, #tpu.memory_space<vmem>>, %arg4: memref<512x128xf32, #tpu.memory_space<vmem>>) attributes {dimension_semantics = [#tpu.dimension_semantics<arbitrary>], iteration_bounds = array<i64: 8>, scalar_prefetch = 0 : i64, scratch_operands = 0 : i64, tpu.core_type = #tpu.core_type<tc>, window_params = [{transform_indices = @transform_0, window_bounds = array<i64: 512, 64>}, {pipeline_mode = #tpu.pipeline_mode<synchronous>, transform_indices = @transform_1, window_bounds = array<i64: 64, 128>}, {pipeline_mode = #tpu.pipeline_mode<synchronous>, transform_indices = @transform_2, window_bounds = array<i64: 1, 128>}, {transform_indices = @transform_3, window_bounds = array<i64: 512, 128>}]} {
    %get3A = arith.constant 0 : index
    %get3A_0 = arith.constant 0 : index
    %get3A_1 = vector.load %arg1[%get3A, %get3A_0] : memref<512x64xf32, #tpu.memory_space<vmem>>, vector<512x64xf32>
    %get3A_2 = arith.constant 0 : index
    %get3A_3 = arith.constant 0 : index
    %get3A_4 = vector.load %arg2[%get3A_2, %get3A_3] : memref<64x128xf32, #tpu.memory_space<vmem>>, vector<64x128xf32>
    %dot_general3A = arith.constant dense<0.000000e+00> : vector<512x128xf32>
    %dot_general3A_5 = tpu.matmul %get3A_1, %get3A_4, %dot_general3A {dimension_numbers = #tpu.dot_dimension_numbers<[1], [0], [0], [1], [0, 0, 1, 1], [], []>, transpose_lhs_hint = false} : vector<512x64xf32>, vector<64x128xf32>, vector<512x128xf32> -> vector<512x128xf32>
    %get3A_6 = arith.constant 0 : index
    %get3A_7 = arith.constant 0 : index
    %get3A_8 = vector.load %arg3[%get3A_6, %get3A_7] : memref<1x128xf32, #tpu.memory_space<vmem>>, vector<1x128xf32>
    %add3A = vector.broadcast %get3A_8 : vector<1x128xf32> to vector<512x128xf32>
    %add3A_9 = arith.addf %dot_general3A_5, %add3A : vector<512x128xf32>
    %mul3A = arith.mulf %add3A_9, %add3A_9 : vector<512x128xf32>
    %reduce_sum3A = arith.constant dense<0.000000e+00> : vector<512xf32>
    %reduce_sum3A_10 = vector.multi_reduction <add>, %mul3A, %reduce_sum3A [1] : vector<512x128xf32> to vector<512xf32>
    %broadcast_in_dim3A = vector.shape_cast %reduce_sum3A_10 : vector<512xf32> to vector<512x1xf32>
    %sqrt3A = math.sqrt %broadcast_in_dim3A : vector<512x1xf32>
    %max3A = arith.constant 9.99999996E-13 : f32
    %max3A_11 = vector.broadcast %max3A : f32 to vector<512x1xf32>
    %max3A_12 = arith.maximumf %sqrt3A, %max3A_11 : vector<512x1xf32>
    %div3A = vector.broadcast %max3A_12 : vector<512x1xf32> to vector<512x128xf32>
    %div3A_13 = arith.divf %add3A_9, %div3A : vector<512x128xf32>
    %swap3A = arith.constant 0 : index
    %swap3A_14 = arith.constant 0 : index
    %swap3A_15 = vector.load %arg4[%swap3A, %swap3A_14] : memref<512x128xf32, #tpu.memory_space<vmem>>, vector<512x128xf32>
    tpu.vector_store %arg4[%swap3A, %swap3A_14], %div3A_13 {strides = array<i32>} : memref<512x128xf32, #tpu.memory_space<vmem>>, vector<512x128xf32>,
    return
  }
  func.func @transform_0(%arg0: i32) -> (i32, i32) {
    %c0_i32 = arith.constant 0 : i32
    %c0_i32_0 = arith.constant 0 : i32
    return %arg0, %c0_i32 : i32, i32
  }
  func.func @transform_1(%arg0: i32) -> (i32, i32) {
    %c0_i32 = arith.constant 0 : i32
    %c0_i32_0 = arith.constant 0 : i32
    %c0_i32_1 = arith.constant 0 : i32
    return %c0_i32, %c0_i32_0 : i32, i32
  }
  func.func @transform_2(%arg0: i32) -> (i32, i32) {
    %c0_i32 = arith.constant 0 : i32
    %c0_i32_0 = arith.constant 0 : i32
    %c0_i32_1 = arith.constant 0 : i32
    return %c0_i32, %c0_i32_0 : i32, i32
  }
  func.func @transform_3(%arg0: i32) -> (i32, i32) {
    %c0_i32 = arith.constant 0 : i32
    %c0_i32_0 = arith.constant 0 : i32
    return %arg0, %c0_i32 : i32, i32
  }
}

</mosaic_0001>

<sc_bundles>
// kernel: kernel.5.cloned.1.call-start
scs
__scs_entry_jumppad:
0x0: {  	(pc) =	sbr.rel $0x88, $3  }
0x1: {  	(tag) =	ssettag $0x0;
	lr =	simm.s32 $0x1  }
0x2: {  	[smem:$0x3F9D] =	sst lr;
	_ =	strace $0xD0000000  }
0x3: {  	_ = 	snop  }
0x4: {  	_ = 	snop  }
0x5: {  	_ = 	snop  }
0x6: {  	_ = 	snop  }
0x7: {  	_ = 	snop  }
__scs_overlays_trampoline_lowered:
0x8: {  	[smem:$0x3FAC] =	sst s0  }
0x9: {  	[smem:$0x3FAD] =	sst s1  }
0xa: {  	[smem:$0x3FAE] =	sst s2  }
0xb: {  	[smem:$0x3FAF] =	sst s3  }
0xc: {  	[smem:$0x3FB0] =	sst s4  }
0xd: {  	[smem:$0x3FB1] =	sst s5  }
0xe: {  	[smem:$0x3FB2] =	sst s6  }
0xf: {  	[smem:$0x3FB3] =	sst s7  }
0x10: {  	[smem:$0x3FB4] =	sst s8  }
0x11: {  	[smem:$0x3FB5] =	sst s9;
	s0 =	simm.s32 @!p0 $0x0  }
0x12: {  	s1 =	sld [smem:$0x3F9B];
	s0 =	simm.s32 @p0 $0x1  }
0x13: {  	[smem:$0x3FB6] =	sst s0;
	s0 =	simm.s32 @!p1 $0x0  }
0x14: {  	s2 =	sld [smem:$0x3F9A];
	s0 =	simm.s32 @p1 $0x1  }
0x15: {  	[smem:$0x3FB7] =	sst s0;
	s0 =	simm.s32 @!p2 $0x0  }
0x16: {  	s3 =	sld [smem:$0x3FDB];
	s0 =	simm.s32 @p2 $0x1  }
0x17: {  	s4 =	simm.s32 $0x1BF5;
	[smem:$0x3FB9] =	sst s0  }
0x18: {  	s0 =	sld [smem:$0x3F9C];
	_ =	swait.ge [sflag:s4], $0x0  }
0x19: {  	s7 =	sld [smem:$0x3F9D]  }
0x1a: {  	s8 =	sadd.s32 $0xFFFFE003, lr  }
0x1b: {  	s9 =	sadd.s32 $0xFFFFFEF7, lr;
	s5 =	simm.s32 $0xFFFFFFFF;
	p2 =	slt.u32 s8, $0xFFFFF086  }
0x1c: {  	p1 =	slt.u32 s9, $0xF7A;
	s5 =	simm.s32 @!p2 $0x0  }
0x1d: {  	s5 =	simm.s32 @p1 $0x1;
	p0 =	seq.s32 s7, s2  }
0x1e: {  	s7 =	smul.u32 @!p0 $0xF7A, s2;
	p2 =	seq.s32 @!p0 s5, $0x0  }
0x1f: {  	s9 =	smul.u32 $0xF7A, s1;
	s8 =	simm.s32 @!p0 $0x1BF5;
	p2 =	por !p2, p0  }
0x20: {  	[sflag:s8] =	ssyncset.s32 @!p0 $0xFFFFF086;
	s6 =	sadd.s32 @!p0 s3, s7;
	s7 =	simm.s32 @!p0 $0x108  }
0x21: {  	s3 =	sadd.s32 s3, s9;
	s6 =	sadd.s32 @!p0 $0x88, s6;
	s7 =	simm.s32 @p2 $0x1082  }
0x22: {  	[simem:s7], [sflag:s8] =	dma.local @!p0 [hbm:s6], $0xF7A  }
0x23: {  	s9 =	sor.u32 $0xD0000000, s2;
	s6 =	simm.s32 $0x108;
	_ =	swait.ge @!p0 [sflag:s8], $0x0  }
0x24: {  	s3 =	sadd.s32 $0x88, s3;
	s6 =	simm.s32 @!p1 $0x1082;
	[sflag:s4] =	ssyncset.s32 $0xFFFFF086  }
0x25: {  	[simem:s6], [sflag:s4] =	dma.local [hbm:s3], $0xF7A  }
0x26: {  	[smem:$0x3F9D] =	sst s1;
	(tag) =	ssettag s2;
	_ =	strace s9  }
0x27: {  	s1 =	sld [smem:$0x3FAD]  }
0x28: {  	s2 =	sld [smem:$0x3FAE]  }
0x29: {  	s4 =	sld [smem:$0x3FB0]  }
0x2a: {  	p0 =	seq.s32 s5, $0x0;
	s5 =	sld [smem:$0x3FB1]  }
0x2b: {  	s6 =	sld [smem:$0x3FB2]  }
0x2c: {  	s7 =	sld [smem:$0x3FB3]  }
0x2d: {  	s3 =	simm.s32 $0x108;
	s8 =	sld [smem:$0x3FB4]  }
0x2e: {  	s3 =	simm.s32 @!p0 $0x1082;
	s9 =	sld [smem:$0x3FB5]  }
0x2f: {  	lr =	sadd.s32 s0, s3;
	s0 =	sld [smem:$0x3FAC]  }
0x30: {  	s3 =	sld [smem:$0x3FAF]  }
0x31: {  	[smem:$0x3FB8] =	sst s10  }
0x32: {  	s10 =	sld [smem:$0x3FB6];
	_ =	sdelay $0x3  }
0x33: {  	p0 =	seq.s32 s10, $0x1;
	s10 =	sld [smem:$0x3FB8];
	_ =	sdelay $0x3  }
0x34: {  	[smem:$0x3FB8] =	sst s10  }
0x35: {  	s10 =	sld [smem:$0x3FB7];
	_ =	sdelay $0x3  }
0x36: {  	p1 =	seq.s32 s10, $0x1;
	s10 =	sld [smem:$0x3FB8];
	_ =	sdelay $0x3  }
0x37: {  	[smem:$0x3FB8] =	sst s10  }
0x38: {  	s10 =	sld [smem:$0x3FB9]  }
0x39: {  	_ = 	snop;
	(pc) =	sbr.ind lr, $3  }
0x3a: {  	_ = 	snop  }
0x3b: {  	_ = 	snop  }
0x3c: {  	p2 =	seq.s32 s10, $0x1;
	s10 =	sld [smem:$0x3FB8]  }
0x3d: {  	_ =	shalt  }
0x3e: {  	_ =	shalt  }
0x3f: {  	_ =	shalt  }
0x40: {  	_ =	shalt  }
0x41: {  	_ =	shalt  }
0x42: {  	_ =	shalt  }
0x43: {  	_ =	shalt  }
0x44: {  	_ =	shalt  }
0x45: {  	_ =	shalt  }
0x46: {  	_ =	shalt  }
0x47: {  	_ =	shalt  }
0x48: {  	_ =	shalt  }
0x49: {  	_ =	shalt  }
0x4a: {  	_ =	shalt  }
0x4b: {  	_ =	shalt  }
0x4c: {  	_ =	shalt  }
0x4d: {  	_ =	shalt  }
0x4e: {  	_ =	shalt  }
0x4f: {  	_ =	shalt  }
0x50: {  	_ =	shalt  }
0x51: {  	_ =	shalt  }
0x52: {  	_ =	shalt  }
0x53: {  	_ =	shalt  }
0x54: {  	_ =	shalt  }
0x55: {  	_ =	shalt  }
0x56: {  	_ =	shalt  }
0x57: {  	_ =	shalt  }
0x58: {  	_ =	shalt  }
0x59: {  	_ =	shalt  }
0x5a: {  	_ =	shalt  }
0x5b: {  	_ =	shalt  }
0x5c: {  	_ =	shalt  }
0x5d: {  	_ =	shalt  }
0x5e: {  	_ =	shalt  }
0x5f: {  	_ =	shalt  }
0x60: {  	_ =	shalt  }
0x61: {  	_ =	shalt  }
0x62: {  	_ =	shalt  }
0x63: {  	_ =	shalt  }
0x64: {  	_ =	shalt  }
0x65: {  	_ =	shalt  }
0x66: {  	_ =	shalt  }
0x67: {  	_ =	shalt  }
0x68: {  	_ =	shalt  }
0x69: {  	_ =	shalt  }
0x6a: {  	_ =	shalt  }
0x6b: {  	_ =	shalt  }
0x6c: {  	_ =	shalt  }
0x6d: {  	_ =	shalt  }
0x6e: {  	_ =	shalt  }
0x6f: {  	_ =	shalt  }
0x70: {  	_ =	shalt  }
0x71: {  	_ =	shalt  }
0x72: {  	_ =	shalt  }
0x73: {  	_ =	shalt  }
0x74: {  	_ =	shalt  }
0x75: {  	_ =	shalt  }
0x76: {  	_ =	shalt  }
0x77: {  	_ =	shalt  }
0x78: {  	_ =	shalt  }
0x79: {  	_ =	shalt  }
0x7a: {  	_ =	shalt  }
0x7b: {  	_ =	shalt  }
0x7c: {  	_ =	shalt  }
0x7d: {  	_ =	shalt  }
0x7e: {  	_ =	shalt  }
0x7f: {  	_ =	shalt  }
0x80: {  	_ =	shalt  }
0x81: {  	_ =	shalt  }
0x82: {  	_ =	shalt  }
0x83: {  	_ =	shalt  }
0x84: {  	_ =	shalt  }
0x85: {  	_ =	shalt  }
0x86: {  	_ =	shalt  }
0x87: {  	_ =	shalt  }
.Lfunc_end0:
.L_simem_size_0:
called_computation_lowered:
.L_overlay_start_0:
0x88: {  	s2 =	sld [smem:$0x3FD9]  }
0x89: {  	s3 =	sld [smem:$0x3FFE];
	_ =	sdelay $0x1  }
0x8a: {  	s1 =	srdreg.scid  }
0x8b: {  	s0 =	sand.u32 $0x1, s1  }
0x8c: {  	s17 =	sshll.u32 s0, $0xA;
	s2 =	sadd.s32 s3, s2  }
0x8d: {  	s2 =	sadd.s32 s2, s17  }
0x8e: {  	[smem:$0x3FC4] =	sst s2  }
0x8f: {  	_ = 	snop  }
0x90: {  	s2 =	sld [smem:$0x3FD0];
	(tm) =	ssettm $0x1  }
0x91: {  	s18 =	sld [smem:$0x3FFB];
	_ =	sdelay $0x3  }
0x92: {  	_ =	strace s18  }
0x93: {  	s3 =	sld [smem:$0x3FFC];
	_ =	sdelay $0x3  }
0x94: {  	_ =	strace s3  }
0x95: {  	s3 =	sld [smem:$0x3FFD];
	_ =	sdelay $0x3  }
0x96: {  	_ =	strace s3  }
0x97: {  	_ =	strace $0x8FFFFFFF  }
0x98: {  	s19 =	sld [smem:$0x3FDB];
	_ =	sdelay $0x1  }
0x99: {  	s4 =	simm.s32 $_scs_section_size  }
0x9a: {  	s5 =	simm.s32 $_size__tile_overlayer_lowered;
	s6 =	simm.s32 $_tile_overlayer_lowered  }
0x9b: {  	s22 =	simm.s32 $0x1BFF;
	s21 =	sshll.u32 s6, $0x1;
	s3 =	sadd.s32 s4, s19  }
0x9c: {  	s7 =	simm.s32 $0x0;
	s20 =	sshll.u32 s5, $0x1;
	s5 =	sadd.s32 s21, s3  }
0x9d: {  	[timem:s7], [sflag:s22] =	dma.local [hbm:s5], s20  }
0x9e: {  	_ =	swait.ge [sflag:s22], s20  }
0x9f: {  	s4 =	ssub.s32 $0x0, s20;
	[sflag:s22] =	ssyncset.done $0x0  }
0xa0: {  	[sflag:s22] =	ssyncadd.s32 s4;
	_ =	sdelay $0x1  }
0xa1: {  	s23 =	simm.s32 $0x1B8B  }
0xa2: {  	_ =	swait.ge [sflag:s23], $0x1  }
0xa3: {  	[sflag:s23] =	ssyncset.done $0x0  }
0xa4: {  	s25 =	simm.s32 $0x1B8E;
	s24 =	sld [smem:$0x3FFE];
	[sflag:s23] =	ssyncadd.s32 $0xFFFFFFFF  }
0xa5: {  	s26 =	simm.s32 $execute0_lowered;
	[smem:$0x3FD2] =	sst s25  }
0xa6: {  	s5 =	sshll.u32 s26, $0x1;
	_ =	strace $0x80000046;
	[dreg:$0x1] =	wrdreg $0xFFFFFFFF  }
0xa7: {  	s28 =	simm.s32 $_size_execute0_lowered;
	s3 =	sadd.s32 s3, s5;
	[dreg:$0x0] =	wrdreg $0x0  }
0xa8: {  	s5 =	sshll.u32 s28, $0x1;
	[dreg:$0x2] =	wrdreg s3  }
0xa9: {  	[dreg:$0x3] =	wrdreg s5  }
0xaa: {  	[dreg:$0x4] =	wrdreg $0xC0  }
0xab: {  	_ =	task [dreg:s7], $0x5FFFF  }
0xac: {  	[dreg:$0x1] =	wrdreg $0xFFFFFFFF  }
0xad: {  	[dreg:$0x0] =	wrdreg $0x60  }
0xae: {  	[dreg:$0x2] =	wrdreg s24  }
0xaf: {  	[dreg:$0x3] =	wrdreg s2  }
0xb0: {  	[dreg:$0x4] =	wrdreg $0x9  }
0xb1: {  	_ =	task.clear_ibuf [dreg:s7], $0x5FFFF;
	_ =	strace $0x90000046  }
0xb2: {  	s29 =	simm.s32 $0x9;
	_ =	strace $0x80000048  }
0xb3: {  	_ =	swait.ge [sflag:s29], $0x1  }
0xb4: {  	[sflag:s29] =	ssyncadd.s32 $0xFFFFFFFF  }
0xb5: {  	_ =	strace $0x90000048  }
0xb6: {  	_ =	sfence  }
0xb7: {  	s30 =	sld [smem:$0x0];
	_ =	sdelay $0x2  }
0xb8: {  	s31 =	sshll.u32 s1, $0xD;
	s1 =	sshrl.u32 s1, $0x2  }
0xb9: {  	s3 =	sand.u32 $0x4000, s31;
	s1 =	sadd.s32 s1, s30  }
0xba: {  	s0 =	sor.u32 s3, s0;
	s1 =	sshll.u32 s1, $0x11  }
0xbb: {  	s0 =	sor.u32 s1, s0  }
0xbc: {  	s0 =	sadd.s32 $0x8F2B, s0  }
0xbd: {  	[sflag:s0] =	ssyncadd.remote.s32 $0x1  }
0xbe: {  	_ =	sfence.sel $0xFFFF  }
0xbf: {  	[dreg:$0x0] =	wrdreg $0xFFFFFFFF;
	(pc) =	sbr.abs _section_cstart, $3  }
0xc0: {  	[dreg:$0x1] =	wrdreg $0xFFFFFFFF  }
0xc1: {  	_ =	task.clear_ibuf [dreg:s7], $0x2FFFF;
	_ =	strace $0x9FFFFFFF  }
0xc2: {  	(tm) =	ssettm $0x7FFFFFFF  }
0xc3: {  	_ =	shalt  }
tec
execute0_lowered:
.L_overlay_start_1:
0x0: {  	(tag) =	ssettag $0x1  }
0x1: {  	s0 =	rddreg [dreg:$0x0]  }
0x2: {  	s1 =	rddreg [dreg:$0x1]  }
0x3: {  	s2 =	srdreg.scid;
	s4 =	stileid.u32;
	s8 =	simm.s32 $0x9  }
0x4: {  	s9 =	simm.s32 $0x4000;
	s10 =	simm.s32 $0x80;
	s12 =	simm.s32 $0x48  }
0x5: {  	s20 =	simm.s32 $0x10400;
	s21 =	simm.s32 $0x180;
	s22 =	simm.s32 $0x11600  }
0x6: {  	s23 =	simm.s32 $0x4180;
	s24 =	simm.s32 $0x13600;
	s28 =	simm.s32 $0x3  }
0x7: {  	s29 =	simm.s32 $0x4;
	s30 =	simm.s32 $0x5;
	s31 =	simm.s32 $0x6  }
0x8: {  	s11 =	simm.s32 $0x14800;
	s13 =	simm.s32 $0x0;
	s3 =	sand.u32 $0x1, s2  }
0x9: {  	s2 =	simm.s32 $0x0;
	s4 =	sshll.u32 s4, $0x8;
	s5 =	sshll.u32 s3, $0x7  }
0xa: {  	[smem:$0x7FF] =	sst s2;
	s6 =	ssub.s32 $0x2, s3;
	s5 =	sor.u32 s5, s4  }
0xb: {  	s3 =	sadd.s32 $0xF43000, s0;
	_ =	strace $0x80000047;
	s4 =	sshll.u32 s5, $0x4  }
0xc: {  	s25 =	sshrl.u32 s6, $0x1;
	s26 =	sshll.u32 s5, $0x3;
	s7 =	sadd.s32 s4, s0  }
0xd: {  	s0 =	ssub.s32 s6, s25;
	s6 =	sadd.s32 s1, s26;
	s25 =	simm.s32 $0x1  }
0xe: {  	s26 =	simm.s32 $0x2;
	s1 =	simm.s32 $0x8;
	s4 =	sadd.s32 $0xC00, s7  }
0xf: {  	s5 =	sadd.s32 $0x10C00, s7;
	s7 =	smax.u32 s0, $0x1;
	s0 =	simm.s32 $0x7  }
.LBB2_1:
0x10: {  	[tilespmem:s2], [sflag:$0x9] =	stream.linear.gather [hbm4b:s4+s2], $0x4000, $0x38;
	[tilespmem:$0x16800] =	vst v63  }
0x11: {  	_ =	swait.ge [sflag:s8], $0x4000  }
0x12: {  	[sflag:s8] =	ssyncset.done $0x0  }
0x13: {  	[sflag:s8] =	ssyncadd.s32 $0xFFFFC000  }
0x14: {  	[tilespmem:s9], [sflag:$0x9] =	stream.linear.gather [hbm4b:s5+s2], $0x4000, $0x38;
	[tilespmem:$0x16800] =	vst v63  }
0x15: {  	_ =	swait.ge [sflag:s8], $0x4000  }
0x16: {  	[sflag:s8] =	ssyncset.done $0x0  }
0x17: {  	s14 =	simm.s32 $0x8000;
	[sflag:s8] =	ssyncadd.s32 $0xFFFFC000  }
0x18: {  	[tilespmem:s14], [sflag:$0x1] =	stream.indirect.gather [hbm4b:s3+s10], $0x40, s2, s10, $0xb8;
	[tilespmem:$0x16800] =	vst v63  }
0x19: {  	s19 =	simm.s32 $0xA000  }
0x1a: {  	[tilespmem:s19], [sflag:$0x2] =	stream.indirect.gather [hbm4b:s3+s12], $0x40, s9, s12, $0xb8;
	[tilespmem:$0x16800] =	vst v63  }
0x1b: {  	s15 =	simm.s32 $0xB200  }
0x1c: {  	[tilespmem:s15], [sflag:$0x3] =	stream.indirect.gather [hbm4b:s3+s10], $0x40, s10, s10, $0xb8;
	[tilespmem:$0x16800] =	vst v63  }
0x1d: {  	s16 =	simm.s32 $0x4080;
	s15 =	simm.s32 $0xD200  }
0x1e: {  	[tilespmem:s15], [sflag:$0x4] =	stream.indirect.gather [hbm4b:s3+s12], $0x40, s16, s12, $0xb8;
	[tilespmem:$0x16800] =	vst v63  }
0x1f: {  	s17 =	simm.s32 $0x100;
	s18 =	simm.s32 $0xE400  }
0x20: {  	[tilespmem:s18], [sflag:$0x5] =	stream.indirect.gather [hbm4b:s3+s10], $0x40, s17, s10, $0xb8;
	[tilespmem:$0x16800] =	vst v63  }
0x21: {  	s19 =	simm.s32 $0x4100  }
0x22: {  	[tilespmem:s20], [sflag:$0x6] =	stream.indirect.gather [hbm4b:s3+s12], $0x40, s19, s12, $0xb8;
	[tilespmem:$0x16800] =	vst v63  }
0x23: {  	_ = 	snop  }
0x24: {  	[tilespmem:s22], [sflag:$0x7] =	stream.indirect.gather [hbm4b:s3+s10], $0x40, s21, s10, $0xb8;
	[tilespmem:$0x16800] =	vst v63  }
0x25: {  	s14 =	simm.s32 $0x0  }
0x26: {  	[tilespmem:s24], [sflag:$0x8] =	stream.indirect.gather [hbm4b:s3+s12], $0x40, s23, s12, $0xb8;
	[tilespmem:$0x16800] =	vst v63  }
.LBB2_2:
0x27: {  	_ =	swait.ge [sflag:s25], $0x2000  }
0x28: {  	[sflag:s25] =	ssyncset.done $0x0  }
0x29: {  	[sflag:s25] =	ssyncadd.s32 $0xFFFFE000  }
0x2a: {  	_ =	swait.ge [sflag:s26], $0x1200  }
0x2b: {  	[sflag:s26] =	ssyncset.done $0x0  }
0x2c: {  	s16 =	simm.s32 $0x0;
	[sflag:s26] =	ssyncadd.s32 $0xFFFFEE00  }
0x2d: {  	v1 =	vld [tilespmem:s16+$0x8030]  }
0x2e: {  	v5 =	vld [tilespmem:s16+$0x8000]  }
0x2f: {  	v0 =	vimm.f32 $0.0e+00;
	v2 =	vld [tilespmem:s16+$0x8010]  }
0x30: {  	s15 =	simm.s32 $0x100;
	v7 =	vimm.f32 $0.0e+00;
	v6 =	vimm.f32 $0.0e+00;
	v4 =	vimm.f32 $0.0e+00;
	v3 =	vld [tilespmem:s16+$0x8020]  }
.LBB2_3:
0x31: {  	p0 =	sne.s32 s15, $0xC700  }
.Ltmp0:
0x32: {  	s16 =	sshra.s32 s15, $0x2;
	s15 =	sadd.s32 $0x100, s15;
	v0 =	vadd.f32 v1, v0;
	(pc) =	sbr.rel @p0 .LBB2_3-.Ltmp0, $4  }
0x33: {  	v1 =	vld [tilespmem:s16+$0x8030];
	v7 =	vadd.f32 v5, v7  }
0x34: {  	v5 =	vld [tilespmem:s16+$0x8000];
	v6 =	vadd.f32 v2, v6  }
0x35: {  	v2 =	vld [tilespmem:s16+$0x8010];
	v4 =	vadd.f32 v3, v4  }
0x36: {  	v3 =	vld [tilespmem:s16+$0x8020]  }
0x37: {  	s15 =	sshll.u32 s14, $0x9;
	p0 =	seq.s32 s14, $0x1F  }
0x38: {  	s16 =	sadd.s32 @!p0 $0x200, s15;
	s17 =	simm.s32 @!p0 $0x80;
	s18 =	simm.s32 @!p0 $0x8000  }
0x39: {  	[tilespmem:s18], [sflag:$0x1] =	stream.indirect.gather @!p0 [hbm4b:s3+s17], $0x40, s16, s17, $0xb8;
	[tilespmem:$0x16800] =	vst v63  }
0x3a: {  	v5 =	vadd.f32 v5, v7;
	s16 =	sadd.s32 @!p0 $0x4200, s15;
	s17 =	simm.s32 @!p0 $0x48;
	s18 =	simm.s32 @!p0 $0xA000  }
0x3b: {  	v0 =	vadd.f32 v1, v0;
	[tilespmem:s18], [sflag:$0x2] =	stream.indirect.gather @!p0 [hbm4b:s3+s17], $0x40, s16, s17, $0xb8;
	[tilespmem:$0x16800] =	vst v63  }
0x3c: {  	v2 =	vadd.f32 v2, v6;
	v3 =	vadd.f32 v3, v4;
	v4 =	vmul.f32 $4.999999890e-03, v5;
	s18 =	sshll.u32 s14, $0x8  }
0x3d: {  	v0 =	vmul.f32 $4.999999890e-03, v0;
	s16 =	sand.u32 $0x3FFFFF00, s18  }
0x3e: {  	v1 =	vmul.f32 $4.999999890e-03, v2;
	[tilespmem:s16+$0x14800] =	vst v4  }
0x3f: {  	v2 =	vmul.f32 $4.999999890e-03, v3;
	[tilespmem:s16+$0x14830] =	vst v0  }
0x40: {  	[tilespmem:s16+$0x14810] =	vst v1  }
0x41: {  	[tilespmem:s16+$0x14820] =	vst v2  }
0x42: {  	_ =	swait.ge [sflag:s28], $0x2000  }
0x43: {  	[sflag:s28] =	ssyncset.done $0x0  }
0x44: {  	[sflag:s28] =	ssyncadd.s32 $0xFFFFE000  }
0x45: {  	_ =	swait.ge [sflag:s29], $0x1200  }
0x46: {  	[sflag:s29] =	ssyncset.done $0x0  }
0x47: {  	s19 =	simm.s32 $0x0;
	[sflag:s29] =	ssyncadd.s32 $0xFFFFEE00  }
0x48: {  	v1 =	vld [tilespmem:s19+$0xB230]  }
0x49: {  	v5 =	vld [tilespmem:s19+$0xB200]  }
0x4a: {  	v7 =	vimm.f32 $0.0e+00;
	v2 =	vld [tilespmem:s19+$0xB210]  }
0x4b: {  	v6 =	vimm.f32 $0.0e+00;
	s17 =	simm.s32 $0x100;
	v0 =	vimm.f32 $0.0e+00;
	v4 =	vimm.f32 $0.0e+00;
	v3 =	vld [tilespmem:s19+$0xB220]  }
.LBB2_5:
0x4c: {  	p1 =	sne.s32 s17, $0xC700  }
.Ltmp1:
0x4d: {  	s18 =	sshra.s32 s17, $0x2;
	s17 =	sadd.s32 $0x100, s17;
	v0 =	vadd.f32 v1, v0;
	(pc) =	sbr.rel @p1 .LBB2_5-.Ltmp1, $4  }
0x4e: {  	v1 =	vld [tilespmem:s18+$0xB230];
	v7 =	vadd.f32 v5, v7  }
0x4f: {  	v5 =	vld [tilespmem:s18+$0xB200];
	v6 =	vadd.f32 v2, v6  }
0x50: {  	v2 =	vld [tilespmem:s18+$0xB210];
	v4 =	vadd.f32 v3, v4  }
0x51: {  	v3 =	vld [tilespmem:s18+$0xB220]  }
0x52: {  	_ = 	snop  }
0x53: {  	s17 =	sadd.s32 @!p0 $0x280, s15;
	s18 =	simm.s32 @!p0 $0x80;
	s19 =	simm.s32 @!p0 $0xB200;
	v0 =	vadd.f32 v1, v0  }
0x54: {  	[tilespmem:s19], [sflag:$0x3] =	stream.indirect.gather @!p0 [hbm4b:s3+s18], $0x40, s17, s18, $0xb8;
	v5 =	vadd.f32 v5, v7;
	[tilespmem:$0x16800] =	vst v63  }
0x55: {  	s17 =	sadd.s32 @!p0 $0x4280, s15;
	s18 =	simm.s32 @!p0 $0x48;
	s19 =	simm.s32 @!p0 $0xD200;
	v2 =	vadd.f32 v2, v6;
	v0 =	vmul.f32 $4.999999890e-03, v0  }
0x56: {  	[tilespmem:s19], [sflag:$0x4] =	stream.indirect.gather @!p0 [hbm4b:s3+s18], $0x40, s17, s18, $0xb8;
	v3 =	vadd.f32 v3, v4;
	v4 =	vmul.f32 $4.999999890e-03, v5;
	[tilespmem:$0x16800] =	vst v63  }
0x57: {  	v1 =	vmul.f32 $4.999999890e-03, v2;
	[tilespmem:s16+$0x14870] =	vst v0  }
0x58: {  	[tilespmem:s16+$0x14840] =	vst v4;
	v2 =	vmul.f32 $4.999999890e-03, v3  }
0x59: {  	[tilespmem:s16+$0x14850] =	vst v1  }
0x5a: {  	[tilespmem:s16+$0x14860] =	vst v2  }
0x5b: {  	_ =	swait.ge [sflag:s30], $0x2000  }
0x5c: {  	[sflag:s30] =	ssyncset.done $0x0  }
0x5d: {  	[sflag:s30] =	ssyncadd.s32 $0xFFFFE000  }
0x5e: {  	_ =	swait.ge [sflag:s31], $0x1200  }
0x5f: {  	[sflag:s31] =	ssyncset.done $0x0  }
0x60: {  	s19 =	simm.s32 $0x0;
	[sflag:s31] =	ssyncadd.s32 $0xFFFFEE00  }
0x61: {  	v1 =	vld [tilespmem:s19+$0xE430]  }
0x62: {  	v5 =	vld [tilespmem:s19+$0xE400]  }
0x63: {  	v7 =	vimm.f32 $0.0e+00;
	v2 =	vld [tilespmem:s19+$0xE410]  }
0x64: {  	s17 =	simm.s32 $0x100;
	v6 =	vimm.f32 $0.0e+00;
	v0 =	vimm.f32 $0.0e+00;
	v4 =	vimm.f32 $0.0e+00;
	v3 =	vld [tilespmem:s19+$0xE420]  }
.LBB2_7:
0x65: {  	p1 =	sne.s32 s17, $0xC700  }
.Ltmp2:
0x66: {  	s18 =	sshra.s32 s17, $0x2;
	s17 =	sadd.s32 $0x100, s17;
	v0 =	vadd.f32 v1, v0;
	(pc) =	sbr.rel @p1 .LBB2_7-.Ltmp2, $4  }
0x67: {  	v1 =	vld [tilespmem:s18+$0xE430];
	v7 =	vadd.f32 v5, v7  }
0x68: {  	v5 =	vld [tilespmem:s18+$0xE400];
	v6 =	vadd.f32 v2, v6  }
0x69: {  	v2 =	vld [tilespmem:s18+$0xE410];
	v4 =	vadd.f32 v3, v4  }
0x6a: {  	v3 =	vld [tilespmem:s18+$0xE420]  }
0x6b: {  	_ = 	snop  }
0x6c: {  	s17 =	sadd.s32 @!p0 $0x300, s15;
	s18 =	simm.s32 @!p0 $0x80;
	s19 =	simm.s32 @!p0 $0xE400;
	v0 =	vadd.f32 v1, v0  }
0x6d: {  	[tilespmem:s19], [sflag:$0x5] =	stream.indirect.gather @!p0 [hbm4b:s3+s18], $0x40, s17, s18, $0xb8;
	v5 =	vadd.f32 v5, v7;
	[tilespmem:$0x16800] =	vst v63  }
0x6e: {  	s17 =	sadd.s32 @!p0 $0x4300, s15;
	s18 =	simm.s32 @!p0 $0x48;
	s19 =	simm.s32 @!p0 $0x10400;
	v2 =	vadd.f32 v2, v6;
	v0 =	vmul.f32 $4.999999890e-03, v0  }
0x6f: {  	[tilespmem:s19], [sflag:$0x6] =	stream.indirect.gather @!p0 [hbm4b:s3+s18], $0x40, s17, s18, $0xb8;
	v3 =	vadd.f32 v3, v4;
	v4 =	vmul.f32 $4.999999890e-03, v5;
	[tilespmem:$0x16800] =	vst v63  }
0x70: {  	v1 =	vmul.f32 $4.999999890e-03, v2;
	[tilespmem:s16+$0x148B0] =	vst v0  }
0x71: {  	[tilespmem:s16+$0x14880] =	vst v4;
	v2 =	vmul.f32 $4.999999890e-03, v3  }
0x72: {  	[tilespmem:s16+$0x14890] =	vst v1  }
0x73: {  	[tilespmem:s16+$0x148A0] =	vst v2  }
0x74: {  	_ =	swait.ge [sflag:s0], $0x2000  }
0x75: {  	[sflag:s0] =	ssyncset.done $0x0  }
0x76: {  	[sflag:s0] =	ssyncadd.s32 $0xFFFFE000  }
0x77: {  	_ =	swait.ge [sflag:s1], $0x1200  }
0x78: {  	[sflag:s1] =	ssyncset.done $0x0  }
0x79: {  	s19 =	simm.s32 $0x0;
	[sflag:s1] =	ssyncadd.s32 $0xFFFFEE00  }
0x7a: {  	v1 =	vld [tilespmem:s19+$0x11630]  }
0x7b: {  	v5 =	vld [tilespmem:s19+$0x11600]  }
0x7c: {  	v7 =	vimm.f32 $0.0e+00;
	v2 =	vld [tilespmem:s19+$0x11610]  }
0x7d: {  	s17 =	simm.s32 $0x100;
	v6 =	vimm.f32 $0.0e+00;
	v0 =	vimm.f32 $0.0e+00;
	v4 =	vimm.f32 $0.0e+00;
	v3 =	vld [tilespmem:s19+$0x11620]  }
.LBB2_9:
0x7e: {  	p1 =	sne.s32 s17, $0xC700  }
.Ltmp3:
0x7f: {  	s18 =	sshra.s32 s17, $0x2;
	s17 =	sadd.s32 $0x100, s17;
	v0 =	vadd.f32 v1, v0;
	(pc) =	sbr.rel @p1 .LBB2_9-.Ltmp3, $4  }
0x80: {  	v1 =	vld [tilespmem:s18+$0x11630];
	v7 =	vadd.f32 v5, v7  }
0x81: {  	v5 =	vld [tilespmem:s18+$0x11600];
	v6 =	vadd.f32 v2, v6  }
0x82: {  	v2 =	vld [tilespmem:s18+$0x11610];
	v4 =	vadd.f32 v3, v4  }
0x83: {  	v3 =	vld [tilespmem:s18+$0x11620]  }
0x84: {  	s17 =	sadd.s32 @!p0 $0x380, s15  }
0x85: {  	s18 =	simm.s32 @!p0 $0x80;
	s19 =	simm.s32 @!p0 $0x11600;
	s15 =	sadd.s32 @!p0 $0x4380, s15  }
0x86: {  	[tilespmem:s19], [sflag:$0x7] =	stream.indirect.gather @!p0 [hbm4b:s3+s18], $0x40, s17, s18, $0xb8;
	[tilespmem:$0x16800] =	vst v63  }
0x87: {  	s14 =	sadd.s32 $0x1, s14;
	s17 =	simm.s32 @!p0 $0x48;
	s18 =	simm.s32 @!p0 $0x13600;
	v0 =	vadd.f32 v1, v0  }
0x88: {  	v5 =	vadd.f32 v5, v7;
	[tilespmem:s18], [sflag:$0x8] =	stream.indirect.gather @!p0 [hbm4b:s3+s17], $0x40, s15, s17, $0xb8;
	[tilespmem:$0x16800] =	vst v63  }
0x89: {  	v2 =	vadd.f32 v2, v6;
	v0 =	vmul.f32 $4.999999890e-03, v0;
	p0 =	sne.s32 s14, $0x20  }
.Ltmp4:
0x8a: {  	v3 =	vadd.f32 v3, v4;
	v61 =	vmul.f32 $4.999999890e-03, v5;
	(pc) =	sbr.rel @p0 .LBB2_2-.Ltmp4, $4  }
0x8b: {  	v62 =	vmul.f32 $4.999999890e-03, v2;
	[tilespmem:s16+$0x148F0] =	vst v0  }
0x8c: {  	[tilespmem:s16+$0x148C0] =	vst v61;
	v63 =	vmul.f32 $4.999999890e-03, v3  }
0x8d: {  	[tilespmem:s16+$0x148D0] =	vst v62  }
0x8e: {  	[tilespmem:s16+$0x148E0] =	vst v63  }
0x8f: {  	s13 =	sadd.s32 $0x1, s13  }
0x90: {  	p0 =	sne.s32 s13, s7  }
.Ltmp5:
0x91: {  	_ = 	snop;
	(pc) =	sbr.rel @p0 .LBB2_1-.Ltmp5, $4  }
0x92: {  	[hbm4b:s6+s2] =	stream.linear.scatter [tilespmem:s11], [sflag:$0x9], $0x2000, $0x38;
	[tilespmem:$0x16800] =	vst v63  }
0x93: {  	_ =	swait.ge [sflag:s8], $0x2000  }
0x94: {  	[sflag:s8] =	ssyncset.done $0x0  }
0x95: {  	[sflag:s8] =	ssyncadd.s32 $0xFFFFE000  }
0x96: {  	_ =	sfence.sel $0x180000  }
0x97: {  	[bflag:$0x0] =	sbarrier.arrive $0xFFFF  }
0x98: {  	_ =	strace $0x90000047  }
0x99: {  	s0 =	stileid.u32;
	[bflag:$0x2] =	sbarrier.arrive $0xFFFF  }
0x9a: {  	p0 =	sne.s32 s0, $0x0;
	s0 =	rddreg [dreg:$0x2]  }
0x9b: {  	s0 =	sadd.s32 @!p0 $0x100000, s0  }
0x9c: {  	[sflag:s0] =	ssyncadd.tile.s32 @!p0 $0x1;
	_ =	shalt  }
.Lfunc_end2:
_tile_overlayer_lowered:
.L_overlay_start_2:
0x9d: {  	(tag) =	ssettag $0x2  }
0x9e: {  	s0 =	rddreg [dreg:$0x0];
	s2 =	stileid.u32  }
0x9f: {  	s1 =	rddreg [dreg:$0x1];
	p0 =	sne.s32 s2, $0x0  }
0xa0: {  	s3 =	rddreg [dreg:$0x2];
	[bflag:$0x3] =	sbarrier.arrive $0xFFFF;
	s2 =	simm.s32 @!p0 $0x1C09  }
0xa1: {  	[timem:s3], [sflag:s2] =	dma.local @!p0 [hbm:s0], s1  }
0xa2: {  	s0 =	simm.s32 @!p0 $0x9  }
0xa3: {  	_ =	swait.ge @!p0 [sflag:s0], s1  }
0xa4: {  	s1 =	ssub.s32 @!p0 $0x0, s1;
	[sflag:s0] =	ssyncset.done @!p0 $0x0  }
0xa5: {  	[sflag:s0] =	ssyncadd.s32 @!p0 s1  }
0xa6: {  	[bflag:$0x3] =	sbarrier.arrive $0xFFFF  }
0xa7: {  	_ =	shalt  }

</sc_bundles>
